<compile_context>
chip_gen: v7x
topology: tpu7x:2x2x1
jax: 0.10.2.dev20260603
libtpu: 0.0.44.dev20260713+nightly
codegen_flags: <defaults>
</compile_context>

<pallas_src>
import functools

import jax
import jax.numpy as jnp
from jax import lax
from jax.experimental import pallas as pl
from jax.experimental.pallas import tpu as pltpu
from jax.experimental.pallas import tpu_sc as plsc

_V = 1000000
_B = 16384
_D = 16
_NC = 2
_NS = 16
_NW = _NC * _NS
_BPW = _B // _NW
_CHUNK = 128
_NCH = _BPW // _CHUNK
_VC = 65536
_GA = -(-_V // _VC)
_REG = 0.0001


def _tc_body(pt, qt, rt, w, spq, sr, np_, nq_, nr):
    p = pt[...]
    q = qt[...]
    r = rt[...]
    ww = w[...]
    dn = (((1,), (0,)), ((), ()))
    f32 = jnp.float32
    mp = lax.dot_general(ww, p, dn, preferred_element_type=f32)
    mq = lax.dot_general(ww, q, dn, preferred_element_type=f32)
    mr = lax.dot_general(ww, r, dn, preferred_element_type=f32)
    m2p = lax.dot_general(ww, p * p, dn, preferred_element_type=f32)
    m2q = lax.dot_general(ww, q * q, dn, preferred_element_type=f32)
    m2r = lax.dot_general(ww, r * r, dn, preferred_element_type=f32)
    spq[...] = mp[0] + mq[1]
    sr[...] = mr[2]
    np_[...] = m2p[3]
    nq_[...] = m2q[3]
    nr[...] = m2r[3]


@functools.partial(
    pl.kernel,
    out_type=[
        jax.ShapeDtypeStruct((_B,), jnp.float32),
        jax.ShapeDtypeStruct((_NW, 3, _D), jnp.float32),
    ],
    mesh=plsc.VectorSubcoreMesh(core_axis_name="c", subcore_axis_name="s"),
    scratch_types=[
        pltpu.VMEM((_NCH, _CHUNK), jnp.int32),
        pltpu.VMEM((_NCH, _CHUNK), jnp.int32),
        pltpu.VMEM((_BPW,), jnp.float32),
        pltpu.VMEM((_BPW,), jnp.float32),
        pltpu.VMEM((_BPW,), jnp.float32),
        pltpu.VMEM((_BPW,), jnp.float32),
        pltpu.VMEM((_BPW,), jnp.float32),
        pltpu.VMEM((_BPW,), jnp.float32),
        pltpu.VMEM((3, _D), jnp.float32),
        pltpu.SemaphoreType.DMA,
    ],
)
def _sc_body(ps_hbm, rs_hbm, spq_hbm, sr_hbm, np_hbm, nq_hbm, nr_hbm,
             out_hbm, part_hbm,
             idxp_v, idxr_v, spq_v, sr_v, np_v, nq_v, nr_v, outv, partv, sem):
    wid = lax.axis_index("s") * _NC + lax.axis_index("c")
    base = wid * _BPW

    pltpu.sync_copy(ps_hbm.at[pl.ds(wid * _NCH, _NCH)], idxp_v)
    pltpu.sync_copy(rs_hbm.at[pl.ds(wid * _NCH, _NCH)], idxr_v)

    copies = []
    for j in range(_NCH):
        dst = pl.ds(j * _CHUNK, _CHUNK)
        ip = idxp_v.at[j]
        ir = idxr_v.at[j]
        copies.append(pltpu.async_copy(spq_hbm.at[ip], spq_v.at[dst], sem))
        copies.append(pltpu.async_copy(np_hbm.at[ip], np_v.at[dst], sem))
        copies.append(pltpu.async_copy(nq_hbm.at[ip], nq_v.at[dst], sem))
        copies.append(pltpu.async_copy(sr_hbm.at[ir], sr_v.at[dst], sem))
        copies.append(pltpu.async_copy(nr_hbm.at[ir], nr_v.at[dst], sem))
    for c in copies:
        c.wait()

    zero = jnp.zeros((_D,), jnp.float32)

    def blk(i, carry):
        ap, aq, ar = carry
        ds = pl.ds(i * _D, _D)
        outv[ds] = spq_v[ds] + sr_v[ds]
        return (ap + np_v[ds], aq + nq_v[ds], ar + nr_v[ds])

    ap, aq, ar = lax.fori_loop(0, _BPW // _D, blk, (zero, zero, zero))
    partv[0] = ap
    partv[1] = aq
    partv[2] = ar

    pltpu.sync_copy(outv, out_hbm.at[pl.ds(base, _BPW)])
    pltpu.sync_copy(partv, part_hbm.at[wid])


def kernel(ps, qs, rs, P_table, Q_table, R_table, wp, wq, wr, fc_w):
    del qs
    fc = fc_w[0].astype(jnp.float32)
    fc_c = fc / jnp.maximum(jnp.sqrt(jnp.sum(fc * fc)), 1.0)

    def _cw(w):
        s = w[0, 0]
        return s / jnp.maximum(jnp.abs(s), 1.0)

    fcs = jnp.concatenate([
        jnp.stack([fc_c * _cw(wp), fc_c * _cw(wq), fc_c * _cw(wr),
                   jnp.ones((_D,), jnp.float32)]),
        jnp.zeros((4, _D), jnp.float32),
    ])

    spq, sr, np_, nq_, nr = pl.pallas_call(
        _tc_body,
        grid=(_GA,),
        in_specs=[
            pl.BlockSpec((_D, _VC), lambda c: (0, c)),
            pl.BlockSpec((_D, _VC), lambda c: (0, c)),
            pl.BlockSpec((_D, _VC), lambda c: (0, c)),
            pl.BlockSpec((8, _D), lambda c: (0, 0)),
        ],
        out_specs=[pl.BlockSpec((_VC,), lambda c: (c,))] * 5,
        out_shape=[jax.ShapeDtypeStruct((_V,), jnp.float32)] * 5,
    )(P_table.T, Q_table.T, R_table.T, fcs)

    ps2 = ps.astype(jnp.int32).reshape(_NW * _NCH, _CHUNK)
    rs2 = rs.astype(jnp.int32).reshape(_NW * _NCH, _CHUNK)

    out, parts = _sc_body(ps2, rs2, spq, sr, np_, nq_, nr)

    inferences = out.reshape(_B, 1)
    sums = parts.sum(axis=(0, 2))
    regs = _REG * (jnp.sqrt(sums[0]) + jnp.sqrt(sums[1]) + jnp.sqrt(sums[2]))
    return (inferences, regs)

# --- scband reference (transcript-rebuilt; emitter-appended) ---
"""Pipeline reference for scband-network-single-triple-22136261444362 (READ-ONLY COPY).

The authoritative reference and input builder live on the scoring server;
editing this copy changes nothing except your own understanding.
"""

import jax, jax.numpy as jnp
import numpy as np

NUM_PS = 1000000
NUM_QS = 1000000
NUM_RS = 1000000
EMBED_DIM = 16
BATCH = 16384
REG = 0.0001


def _constrain(w):
    # torch: rows with L2 norm > 1 are rescaled to unit norm
    c = jnp.linalg.norm(w, ord=2, axis=1, keepdims=True)
    c = jnp.where(c < 1.0, 1.0, c)
    return w / c


def setup_inputs(seed: int = 0) -> dict:
    key = jax.random.key(seed)
    ks = jax.random.split(key, 10)
    ps = jax.random.randint(ks[0], (BATCH,), 0, NUM_PS)
    qs = jax.random.randint(ks[1], (BATCH,), 0, NUM_QS)
    rs = jax.random.randint(ks[2], (BATCH,), 0, NUM_RS)
    P_table = jax.random.normal(ks[3], (NUM_PS, EMBED_DIM), dtype=jnp.float32) * 0.01
    Q_table = jax.random.normal(ks[4], (NUM_QS, EMBED_DIM), dtype=jnp.float32) * 0.01
    R_table = jax.random.normal(ks[5], (NUM_RS, EMBED_DIM), dtype=jnp.float32) * 0.01
    # arch['mlp'][p/q/r] = nn.Linear(1, 1, bias=False): weight shape [1, 1]
    wp = jax.random.normal(ks[6], (1, 1), dtype=jnp.float32)
    wq = jax.random.normal(ks[7], (1, 1), dtype=jnp.float32)
    wr = jax.random.normal(ks[8], (1, 1), dtype=jnp.float32)
    # _FC = nn.Linear(embedding_dim, 1, bias=False): weight shape [1, d]
    fc_w = jax.random.normal(ks[9], (1, EMBED_DIM), dtype=jnp.float32) * 0.1
    return {"ps": ps, "qs": qs, "rs": rs, "P_table": P_table, "Q_table": Q_table,
            "R_table": R_table, "wp": wp, "wq": wq, "wr": wr, "fc_w": fc_w}


def reference(ps, qs, rs, P_table, Q_table, R_table, wp, wq, wr, fc_w):
    # constrain FC weight and the 2D mlp weights (in torch this is an in-place
    # data edit before the forward math, so the constrained values are used)
    fc_w_c = _constrain(fc_w)
    wp_c = _constrain(wp)
    wq_c = _constrain(wq)
    wr_c = _constrain(wr)

    ps_embedding = jnp.take(P_table, ps, axis=0)
    # NOTE: faithful to the original code's bug: Q embedding is looked up with ps
    qs_embedding = jnp.take(Q_table, ps, axis=0)
    rs_embedding = jnp.take(R_table, rs, axis=0)

    # Linear(1,1,bias=False) applied elementwise via view(-1,1)
    ps_trans = (ps_embedding.reshape(-1, 1) @ wp_c.T).reshape(ps_embedding.shape)
    qs_trans = (qs_embedding.reshape(-1, 1) @ wq_c.T).reshape(qs_embedding.shape)
    rs_trans = (rs_embedding.reshape(-1, 1) @ wr_c.T).reshape(rs_embedding.shape)

    # triple = 'plus_plus' -> (p + q) + r
    combined = (ps_trans + qs_trans) + rs_trans
    inferences = combined @ fc_w_c.T  # [B, 1]

    regs = REG * (jnp.linalg.norm(ps_embedding) + jnp.linalg.norm(qs_embedding) + jnp.linalg.norm(rs_embedding))
    return (inferences, regs)

if __name__ == "__main__":
    import jax
    _d = setup_inputs()
    print(jax.jit(kernel)(*tuple(_d.values())))

</pallas_src>

<mosaic_0001>
#map = affine_map<(d0, d1) -> (0, 0)>
#map1 = affine_map<(d0, d1) -> (0)>
#map2 = affine_map<(d0, d1) -> (0, 0, 0)>
module attributes {stable_mosaic.version = 14 : i64} {
  func.func @_sc_body(%arg0: i32, %arg1: i32, %arg2: memref<128x128xi32, #tpu.memory_space<hbm>>, %arg3: memref<128x128xi32, #tpu.memory_space<hbm>>, %arg4: memref<1000000xf32, #tpu.memory_space<hbm>>, %arg5: memref<1000000xf32, #tpu.memory_space<hbm>>, %arg6: memref<1000000xf32, #tpu.memory_space<hbm>>, %arg7: memref<1000000xf32, #tpu.memory_space<hbm>>, %arg8: memref<1000000xf32, #tpu.memory_space<hbm>>, %arg9: memref<16384xf32, #tpu.memory_space<hbm>>, %arg10: memref<32x3x16xf32, #tpu.memory_space<hbm>>, %arg11: memref<4x128xi32, #tpu.memory_space<vmem>>, %arg12: memref<4x128xi32, #tpu.memory_space<vmem>>, %arg13: memref<512xf32, #tpu.memory_space<vmem>>, %arg14: memref<512xf32, #tpu.memory_space<vmem>>, %arg15: memref<512xf32, #tpu.memory_space<vmem>>, %arg16: memref<512xf32, #tpu.memory_space<vmem>>, %arg17: memref<512xf32, #tpu.memory_space<vmem>>, %arg18: memref<512xf32, #tpu.memory_space<vmem>>, %arg19: memref<3x16xf32, #tpu.memory_space<vmem>>, %arg20: memref<!tpu.dma_semaphore, #tpu.memory_space<semaphore_mem>>) attributes {dimension_semantics = [#tpu.dimension_semantics<core_parallel>, #tpu.dimension_semantics<subcore_parallel>], iteration_bounds = array<i64: 2, 16>, scalar_prefetch = 0 : i64, scratch_operands = 10 : i64, tpu.core_type = #tpu.core_type<sc_vector_subcore>, window_params = [{transform_indices = #map}, {transform_indices = #map}, {transform_indices = #map1}, {transform_indices = #map1}, {transform_indices = #map1}, {transform_indices = #map1}, {transform_indices = #map1}, {transform_indices = #map1}, {transform_indices = #map2}]} {
    %mul3A = arith.constant 2 : i32
    %mul3A_0 = arith.muli %arg1, %mul3A : i32
    %add3A = arith.addi %mul3A_0, %arg0 : i32
    %mul3A_1 = arith.constant 512 : i32
    %mul3A_2 = arith.muli %add3A, %mul3A_1 : i32
    %mul3A_3 = arith.constant 4 : i32
    %mul3A_4 = arith.muli %add3A, %mul3A_3 : i32
    "tpu.region"() ({
      %run_scoped3A = tpu.sem_alloc : memref<!tpu.dma_semaphore, #tpu.memory_space<semaphore_mem>>
      %dma_start3A_348 = arith.constant 0 : i32
      %dma_start3A_349 = tpu.memref_slice %arg2[%mul3A_4, %dma_start3A_348] : memref<128x128xi32, #tpu.memory_space<hbm>> -> memref<4x128xi32, #tpu.memory_space<hbm>>
      %dma_start3A_350 = arith.constant 0 : i32
      %dma_start3A_351 = tpu.memref_slice %arg2[%mul3A_4, %dma_start3A_350] : memref<128x128xi32, #tpu.memory_space<hbm>> -> memref<4x128xi32, #tpu.memory_space<hbm>>
      tpu.enqueue_dma source(%dma_start3A_351 : memref<4x128xi32, #tpu.memory_space<hbm>>) target(%arg11 : memref<4x128xi32, #tpu.memory_space<vmem>>) target_semaphore(%run_scoped3A : memref<!tpu.dma_semaphore, #tpu.memory_space<semaphore_mem>>)
      %dma_wait3A_352 = arith.constant 0 : i32
      %dma_wait3A_353 = tpu.memref_slice %arg2[%mul3A_4, %dma_wait3A_352] : memref<128x128xi32, #tpu.memory_space<hbm>> -> memref<4x128xi32, #tpu.memory_space<hbm>>
      %dma_wait3A_354 = arith.constant 0 : i32
      %dma_wait3A_355 = tpu.memref_slice %arg2[%mul3A_4, %dma_wait3A_354] : memref<128x128xi32, #tpu.memory_space<hbm>> -> memref<4x128xi32, #tpu.memory_space<hbm>>
      tpu.wait_dma2 semaphore(%run_scoped3A : memref<!tpu.dma_semaphore, #tpu.memory_space<semaphore_mem>>) src(%dma_wait3A_355 : memref<4x128xi32, #tpu.memory_space<hbm>>) dst(%arg11 : memref<4x128xi32, #tpu.memory_space<vmem>>)
      tpu.yield
    }) : () -> ()
    %mul3A_5 = arith.constant 4 : i32
    %mul3A_6 = arith.muli %add3A, %mul3A_5 : i32
    "tpu.region"() ({
      %run_scoped3A = tpu.sem_alloc : memref<!tpu.dma_semaphore, #tpu.memory_space<semaphore_mem>>
      %dma_start3A_348 = arith.constant 0 : i32
      %dma_start3A_349 = tpu.memref_slice %arg3[%mul3A_6, %dma_start3A_348] : memref<128x128xi32, #tpu.memory_space<hbm>> -> memref<4x128xi32, #tpu.memory_space<hbm>>
      %dma_start3A_350 = arith.constant 0 : i32
      %dma_start3A_351 = tpu.memref_slice %arg3[%mul3A_6, %dma_start3A_350] : memref<128x128xi32, #tpu.memory_space<hbm>> -> memref<4x128xi32, #tpu.memory_space<hbm>>
      tpu.enqueue_dma source(%dma_start3A_351 : memref<4x128xi32, #tpu.memory_space<hbm>>) target(%arg12 : memref<4x128xi32, #tpu.memory_space<vmem>>) target_semaphore(%run_scoped3A : memref<!tpu.dma_semaphore, #tpu.memory_space<semaphore_mem>>)
      %dma_wait3A_352 = arith.constant 0 : i32
      %dma_wait3A_353 = tpu.memref_slice %arg3[%mul3A_6, %dma_wait3A_352] : memref<128x128xi32, #tpu.memory_space<hbm>> -> memref<4x128xi32, #tpu.memory_space<hbm>>
      %dma_wait3A_354 = arith.constant 0 : i32
      %dma_wait3A_355 = tpu.memref_slice %arg3[%mul3A_6, %dma_wait3A_354] : memref<128x128xi32, #tpu.memory_space<hbm>> -> memref<4x128xi32, #tpu.memory_space<hbm>>
      tpu.wait_dma2 semaphore(%run_scoped3A : memref<!tpu.dma_semaphore, #tpu.memory_space<semaphore_mem>>) src(%dma_wait3A_355 : memref<4x128xi32, #tpu.memory_space<hbm>>) dst(%arg12 : memref<4x128xi32, #tpu.memory_space<vmem>>)
      tpu.yield
    }) : () -> ()
    %dma_start3A = arith.constant 0 : i32
    %dma_start3A_7 = arith.constant 0 : i32
    %dma_start3A_8 = tpu.memref_slice %arg13[%dma_start3A_7] : memref<512xf32, #tpu.memory_space<vmem>> -> memref<128xf32, #tpu.memory_space<vmem>>
    %dma_start3A_9 = arith.constant 0 : i32
    %dma_start3A_10 = tpu.memref_slice %arg11[%dma_start3A, %dma_start3A_9] : memref<4x128xi32, #tpu.memory_space<vmem>> -> memref<1x128xi32, #tpu.memory_space<vmem>>
    %dma_start3A_11 = tpu.memref_squeeze %dma_start3A_10 : memref<1x128xi32, #tpu.memory_space<vmem>> -> memref<128xi32, #tpu.memory_space<vmem>>
    %dma_start3A_12 = arith.constant 0 : i32
    %dma_start3A_13 = tpu.memref_slice %arg4[%dma_start3A_12] : memref<1000000xf32, #tpu.memory_space<hbm>> -> memref<1000000xf32, #tpu.memory_space<hbm>>
    tpu.enqueue_indirect_dma source(%dma_start3A_13 : memref<1000000xf32, #tpu.memory_space<hbm>>) target(%dma_start3A_8 : memref<128xf32, #tpu.memory_space<vmem>>) offsets(%dma_start3A_11 : memref<128xi32, #tpu.memory_space<vmem>>) semaphore(%arg20 : memref<!tpu.dma_semaphore, #tpu.memory_space<semaphore_mem>>)
    %dma_start3A_14 = arith.constant 0 : i32
    %dma_start3A_15 = arith.constant 0 : i32
    %dma_start3A_16 = tpu.memref_slice %arg15[%dma_start3A_15] : memref<512xf32, #tpu.memory_space<vmem>> -> memref<128xf32, #tpu.memory_space<vmem>>
    %dma_start3A_17 = arith.constant 0 : i32
    %dma_start3A_18 = tpu.memref_slice %arg11[%dma_start3A_14, %dma_start3A_17] : memref<4x128xi32, #tpu.memory_space<vmem>> -> memref<1x128xi32, #tpu.memory_space<vmem>>
    %dma_start3A_19 = tpu.memref_squeeze %dma_start3A_18 : memref<1x128xi32, #tpu.memory_space<vmem>> -> memref<128xi32, #tpu.memory_space<vmem>>
    %dma_start3A_20 = arith.constant 0 : i32
    %dma_start3A_21 = tpu.memref_slice %arg6[%dma_start3A_20] : memref<1000000xf32, #tpu.memory_space<hbm>> -> memref<1000000xf32, #tpu.memory_space<hbm>>
    tpu.enqueue_indirect_dma source(%dma_start3A_21 : memref<1000000xf32, #tpu.memory_space<hbm>>) target(%dma_start3A_16 : memref<128xf32, #tpu.memory_space<vmem>>) offsets(%dma_start3A_19 : memref<128xi32, #tpu.memory_space<vmem>>) semaphore(%arg20 : memref<!tpu.dma_semaphore, #tpu.memory_space<semaphore_mem>>)
    %dma_start3A_22 = arith.constant 0 : i32
    %dma_start3A_23 = arith.constant 0 : i32
    %dma_start3A_24 = tpu.memref_slice %arg16[%dma_start3A_23] : memref<512xf32, #tpu.memory_space<vmem>> -> memref<128xf32, #tpu.memory_space<vmem>>
    %dma_start3A_25 = arith.constant 0 : i32
    %dma_start3A_26 = tpu.memref_slice %arg11[%dma_start3A_22, %dma_start3A_25] : memref<4x128xi32, #tpu.memory_space<vmem>> -> memref<1x128xi32, #tpu.memory_space<vmem>>
    %dma_start3A_27 = tpu.memref_squeeze %dma_start3A_26 : memref<1x128xi32, #tpu.memory_space<vmem>> -> memref<128xi32, #tpu.memory_space<vmem>>
    %dma_start3A_28 = arith.constant 0 : i32
    %dma_start3A_29 = tpu.memref_slice %arg7[%dma_start3A_28] : memref<1000000xf32, #tpu.memory_space<hbm>> -> memref<1000000xf32, #tpu.memory_space<hbm>>
    tpu.enqueue_indirect_dma source(%dma_start3A_29 : memref<1000000xf32, #tpu.memory_space<hbm>>) target(%dma_start3A_24 : memref<128xf32, #tpu.memory_space<vmem>>) offsets(%dma_start3A_27 : memref<128xi32, #tpu.memory_space<vmem>>) semaphore(%arg20 : memref<!tpu.dma_semaphore, #tpu.memory_space<semaphore_mem>>)
    %dma_start3A_30 = arith.constant 0 : i32
    %dma_start3A_31 = arith.constant 0 : i32
    %dma_start3A_32 = tpu.memref_slice %arg14[%dma_start3A_31] : memref<512xf32, #tpu.memory_space<vmem>> -> memref<128xf32, #tpu.memory_space<vmem>>
    %dma_start3A_33 = arith.constant 0 : i32
    %dma_start3A_34 = tpu.memref_slice %arg12[%dma_start3A_30, %dma_start3A_33] : memref<4x128xi32, #tpu.memory_space<vmem>> -> memref<1x128xi32, #tpu.memory_space<vmem>>
    %dma_start3A_35 = tpu.memref_squeeze %dma_start3A_34 : memref<1x128xi32, #tpu.memory_space<vmem>> -> memref<128xi32, #tpu.memory_space<vmem>>
    %dma_start3A_36 = arith.constant 0 : i32
    %dma_start3A_37 = tpu.memref_slice %arg5[%dma_start3A_36] : memref<1000000xf32, #tpu.memory_space<hbm>> -> memref<1000000xf32, #tpu.memory_space<hbm>>
    tpu.enqueue_indirect_dma source(%dma_start3A_37 : memref<1000000xf32, #tpu.memory_space<hbm>>) target(%dma_start3A_32 : memref<128xf32, #tpu.memory_space<vmem>>) offsets(%dma_start3A_35 : memref<128xi32, #tpu.memory_space<vmem>>) semaphore(%arg20 : memref<!tpu.dma_semaphore, #tpu.memory_space<semaphore_mem>>)
    %dma_start3A_38 = arith.constant 0 : i32
    %dma_start3A_39 = arith.constant 0 : i32
    %dma_start3A_40 = tpu.memref_slice %arg17[%dma_start3A_39] : memref<512xf32, #tpu.memory_space<vmem>> -> memref<128xf32, #tpu.memory_space<vmem>>
    %dma_start3A_41 = arith.constant 0 : i32
    %dma_start3A_42 = tpu.memref_slice %arg12[%dma_start3A_38, %dma_start3A_41] : memref<4x128xi32, #tpu.memory_space<vmem>> -> memref<1x128xi32, #tpu.memory_space<vmem>>
    %dma_start3A_43 = tpu.memref_squeeze %dma_start3A_42 : memref<1x128xi32, #tpu.memory_space<vmem>> -> memref<128xi32, #tpu.memory_space<vmem>>
    %dma_start3A_44 = arith.constant 0 : i32
    %dma_start3A_45 = tpu.memref_slice %arg8[%dma_start3A_44] : memref<1000000xf32, #tpu.memory_space<hbm>> -> memref<1000000xf32, #tpu.memory_space<hbm>>
    tpu.enqueue_indirect_dma source(%dma_start3A_45 : memref<1000000xf32, #tpu.memory_space<hbm>>) target(%dma_start3A_40 : memref<128xf32, #tpu.memory_space<vmem>>) offsets(%dma_start3A_43 : memref<128xi32, #tpu.memory_space<vmem>>) semaphore(%arg20 : memref<!tpu.dma_semaphore, #tpu.memory_space<semaphore_mem>>)
    %dma_start3A_46 = arith.constant 1 : i32
    %dma_start3A_47 = arith.constant 128 : i32
    %dma_start3A_48 = tpu.memref_slice %arg13[%dma_start3A_47] : memref<512xf32, #tpu.memory_space<vmem>> -> memref<128xf32, #tpu.memory_space<vmem>>
    %dma_start3A_49 = arith.constant 0 : i32
    %dma_start3A_50 = tpu.memref_slice %arg11[%dma_start3A_46, %dma_start3A_49] : memref<4x128xi32, #tpu.memory_space<vmem>> -> memref<1x128xi32, #tpu.memory_space<vmem>>
    %dma_start3A_51 = tpu.memref_squeeze %dma_start3A_50 : memref<1x128xi32, #tpu.memory_space<vmem>> -> memref<128xi32, #tpu.memory_space<vmem>>
    %dma_start3A_52 = arith.constant 0 : i32
    %dma_start3A_53 = tpu.memref_slice %arg4[%dma_start3A_52] : memref<1000000xf32, #tpu.memory_space<hbm>> -> memref<1000000xf32, #tpu.memory_space<hbm>>
    tpu.enqueue_indirect_dma source(%dma_start3A_53 : memref<1000000xf32, #tpu.memory_space<hbm>>) target(%dma_start3A_48 : memref<128xf32, #tpu.memory_space<vmem>>) offsets(%dma_start3A_51 : memref<128xi32, #tpu.memory_space<vmem>>) semaphore(%arg20 : memref<!tpu.dma_semaphore, #tpu.memory_space<semaphore_mem>>)
    %dma_start3A_54 = arith.constant 1 : i32
    %dma_start3A_55 = arith.constant 128 : i32
    %dma_start3A_56 = tpu.memref_slice %arg15[%dma_start3A_55] : memref<512xf32, #tpu.memory_space<vmem>> -> memref<128xf32, #tpu.memory_space<vmem>>
    %dma_start3A_57 = arith.constant 0 : i32
    %dma_start3A_58 = tpu.memref_slice %arg11[%dma_start3A_54, %dma_start3A_57] : memref<4x128xi32, #tpu.memory_space<vmem>> -> memref<1x128xi32, #tpu.memory_space<vmem>>
    %dma_start3A_59 = tpu.memref_squeeze %dma_start3A_58 : memref<1x128xi32, #tpu.memory_space<vmem>> -> memref<128xi32, #tpu.memory_space<vmem>>
    %dma_start3A_60 = arith.constant 0 : i32
    %dma_start3A_61 = tpu.memref_slice %arg6[%dma_start3A_60] : memref<1000000xf32, #tpu.memory_space<hbm>> -> memref<1000000xf32, #tpu.memory_space<hbm>>
    tpu.enqueue_indirect_dma source(%dma_start3A_61 : memref<1000000xf32, #tpu.memory_space<hbm>>) target(%dma_start3A_56 : memref<128xf32, #tpu.memory_space<vmem>>) offsets(%dma_start3A_59 : memref<128xi32, #tpu.memory_space<vmem>>) semaphore(%arg20 : memref<!tpu.dma_semaphore, #tpu.memory_space<semaphore_mem>>)
    %dma_start3A_62 = arith.constant 1 : i32
    %dma_start3A_63 = arith.constant 128 : i32
    %dma_start3A_64 = tpu.memref_slice %arg16[%dma_start3A_63] : memref<512xf32, #tpu.memory_space<vmem>> -> memref<128xf32, #tpu.memory_space<vmem>>
    %dma_start3A_65 = arith.constant 0 : i32
    %dma_start3A_66 = tpu.memref_slice %arg11[%dma_start3A_62, %dma_start3A_65] : memref<4x128xi32, #tpu.memory_space<vmem>> -> memref<1x128xi32, #tpu.memory_space<vmem>>
    %dma_start3A_67 = tpu.memref_squeeze %dma_start3A_66 : memref<1x128xi32, #tpu.memory_space<vmem>> -> memref<128xi32, #tpu.memory_space<vmem>>
    %dma_start3A_68 = arith.constant 0 : i32
    %dma_start3A_69 = tpu.memref_slice %arg7[%dma_start3A_68] : memref<1000000xf32, #tpu.memory_space<hbm>> -> memref<1000000xf32, #tpu.memory_space<hbm>>
    tpu.enqueue_indirect_dma source(%dma_start3A_69 : memref<1000000xf32, #tpu.memory_space<hbm>>) target(%dma_start3A_64 : memref<128xf32, #tpu.memory_space<vmem>>) offsets(%dma_start3A_67 : memref<128xi32, #tpu.memory_space<vmem>>) semaphore(%arg20 : memref<!tpu.dma_semaphore, #tpu.memory_space<semaphore_mem>>)
    %dma_start3A_70 = arith.constant 1 : i32
    %dma_start3A_71 = arith.constant 128 : i32
    %dma_start3A_72 = tpu.memref_slice %arg14[%dma_start3A_71] : memref<512xf32, #tpu.memory_space<vmem>> -> memref<128xf32, #tpu.memory_space<vmem>>
    %dma_start3A_73 = arith.constant 0 : i32
    %dma_start3A_74 = tpu.memref_slice %arg12[%dma_start3A_70, %dma_start3A_73] : memref<4x128xi32, #tpu.memory_space<vmem>> -> memref<1x128xi32, #tpu.memory_space<vmem>>
    %dma_start3A_75 = tpu.memref_squeeze %dma_start3A_74 : memref<1x128xi32, #tpu.memory_space<vmem>> -> memref<128xi32, #tpu.memory_space<vmem>>
    %dma_start3A_76 = arith.constant 0 : i32
    %dma_start3A_77 = tpu.memref_slice %arg5[%dma_start3A_76] : memref<1000000xf32, #tpu.memory_space<hbm>> -> memref<1000000xf32, #tpu.memory_space<hbm>>
    tpu.enqueue_indirect_dma source(%dma_start3A_77 : memref<1000000xf32, #tpu.memory_space<hbm>>) target(%dma_start3A_72 : memref<128xf32, #tpu.memory_space<vmem>>) offsets(%dma_start3A_75 : memref<128xi32, #tpu.memory_space<vmem>>) semaphore(%arg20 : memref<!tpu.dma_semaphore, #tpu.memory_space<semaphore_mem>>)
    %dma_start3A_78 = arith.constant 1 : i32
    %dma_start3A_79 = arith.constant 128 : i32
    %dma_start3A_80 = tpu.memref_slice %arg17[%dma_start3A_79] : memref<512xf32, #tpu.memory_space<vmem>> -> memref<128xf32, #tpu.memory_space<vmem>>
    %dma_start3A_81 = arith.constant 0 : i32
    %dma_start3A_82 = tpu.memref_slice %arg12[%dma_start3A_78, %dma_start3A_81] : memref<4x128xi32, #tpu.memory_space<vmem>> -> memref<1x128xi32, #tpu.memory_space<vmem>>
    %dma_start3A_83 = tpu.memref_squeeze %dma_start3A_82 : memref<1x128xi32, #tpu.memory_space<vmem>> -> memref<128xi32, #tpu.memory_space<vmem>>
    %dma_start3A_84 = arith.constant 0 : i32
    %dma_start3A_85 = tpu.memref_slice %arg8[%dma_start3A_84] : memref<1000000xf32, #tpu.memory_space<hbm>> -> memref<1000000xf32, #tpu.memory_space<hbm>>
    tpu.enqueue_indirect_dma source(%dma_start3A_85 : memref<1000000xf32, #tpu.memory_space<hbm>>) target(%dma_start3A_80 : memref<128xf32, #tpu.memory_space<vmem>>) offsets(%dma_start3A_83 : memref<128xi32, #tpu.memory_space<vmem>>) semaphore(%arg20 : memref<!tpu.dma_semaphore, #tpu.memory_space<semaphore_mem>>)
    %dma_start3A_86 = arith.constant 2 : i32
    %dma_start3A_87 = arith.constant 256 : i32
    %dma_start3A_88 = tpu.memref_slice %arg13[%dma_start3A_87] : memref<512xf32, #tpu.memory_space<vmem>> -> memref<128xf32, #tpu.memory_space<vmem>>
    %dma_start3A_89 = arith.constant 0 : i32
    %dma_start3A_90 = tpu.memref_slice %arg11[%dma_start3A_86, %dma_start3A_89] : memref<4x128xi32, #tpu.memory_space<vmem>> -> memref<1x128xi32, #tpu.memory_space<vmem>>
    %dma_start3A_91 = tpu.memref_squeeze %dma_start3A_90 : memref<1x128xi32, #tpu.memory_space<vmem>> -> memref<128xi32, #tpu.memory_space<vmem>>
    %dma_start3A_92 = arith.constant 0 : i32
    %dma_start3A_93 = tpu.memref_slice %arg4[%dma_start3A_92] : memref<1000000xf32, #tpu.memory_space<hbm>> -> memref<1000000xf32, #tpu.memory_space<hbm>>
    tpu.enqueue_indirect_dma source(%dma_start3A_93 : memref<1000000xf32, #tpu.memory_space<hbm>>) target(%dma_start3A_88 : memref<128xf32, #tpu.memory_space<vmem>>) offsets(%dma_start3A_91 : memref<128xi32, #tpu.memory_space<vmem>>) semaphore(%arg20 : memref<!tpu.dma_semaphore, #tpu.memory_space<semaphore_mem>>)
    %dma_start3A_94 = arith.constant 2 : i32
    %dma_start3A_95 = arith.constant 256 : i32
    %dma_start3A_96 = tpu.memref_slice %arg15[%dma_start3A_95] : memref<512xf32, #tpu.memory_space<vmem>> -> memref<128xf32, #tpu.memory_space<vmem>>
    %dma_start3A_97 = arith.constant 0 : i32
    %dma_start3A_98 = tpu.memref_slice %arg11[%dma_start3A_94, %dma_start3A_97] : memref<4x128xi32, #tpu.memory_space<vmem>> -> memref<1x128xi32, #tpu.memory_space<vmem>>
    %dma_start3A_99 = tpu.memref_squeeze %dma_start3A_98 : memref<1x128xi32, #tpu.memory_space<vmem>> -> memref<128xi32, #tpu.memory_space<vmem>>
    %dma_start3A_100 = arith.constant 0 : i32
    %dma_start3A_101 = tpu.memref_slice %arg6[%dma_start3A_100] : memref<1000000xf32, #tpu.memory_space<hbm>> -> memref<1000000xf32, #tpu.memory_space<hbm>>
    tpu.enqueue_indirect_dma source(%dma_start3A_101 : memref<1000000xf32, #tpu.memory_space<hbm>>) target(%dma_start3A_96 : memref<128xf32, #tpu.memory_space<vmem>>) offsets(%dma_start3A_99 : memref<128xi32, #tpu.memory_space<vmem>>) semaphore(%arg20 : memref<!tpu.dma_semaphore, #tpu.memory_space<semaphore_mem>>)
    %dma_start3A_102 = arith.constant 2 : i32
    %dma_start3A_103 = arith.constant 256 : i32
    %dma_start3A_104 = tpu.memref_slice %arg16[%dma_start3A_103] : memref<512xf32, #tpu.memory_space<vmem>> -> memref<128xf32, #tpu.memory_space<vmem>>
    %dma_start3A_105 = arith.constant 0 : i32
    %dma_start3A_106 = tpu.memref_slice %arg11[%dma_start3A_102, %dma_start3A_105] : memref<4x128xi32, #tpu.memory_space<vmem>> -> memref<1x128xi32, #tpu.memory_space<vmem>>
    %dma_start3A_107 = tpu.memref_squeeze %dma_start3A_106 : memref<1x128xi32, #tpu.memory_space<vmem>> -> memref<128xi32, #tpu.memory_space<vmem>>
    %dma_start3A_108 = arith.constant 0 : i32
    %dma_start3A_109 = tpu.memref_slice %arg7[%dma_start3A_108] : memref<1000000xf32, #tpu.memory_space<hbm>> -> memref<1000000xf32, #tpu.memory_space<hbm>>
    tpu.enqueue_indirect_dma source(%dma_start3A_109 : memref<1000000xf32, #tpu.memory_space<hbm>>) target(%dma_start3A_104 : memref<128xf32, #tpu.memory_space<vmem>>) offsets(%dma_start3A_107 : memref<128xi32, #tpu.memory_space<vmem>>) semaphore(%arg20 : memref<!tpu.dma_semaphore, #tpu.memory_space<semaphore_mem>>)
    %dma_start3A_110 = arith.constant 2 : i32
    %dma_start3A_111 = arith.constant 256 : i32
    %dma_start3A_112 = tpu.memref_slice %arg14[%dma_start3A_111] : memref<512xf32, #tpu.memory_space<vmem>> -> memref<128xf32, #tpu.memory_space<vmem>>
    %dma_start3A_113 = arith.constant 0 : i32
    %dma_start3A_114 = tpu.memref_slice %arg12[%dma_start3A_110, %dma_start3A_113] : memref<4x128xi32, #tpu.memory_space<vmem>> -> memref<1x128xi32, #tpu.memory_space<vmem>>
    %dma_start3A_115 = tpu.memref_squeeze %dma_start3A_114 : memref<1x128xi32, #tpu.memory_space<vmem>> -> memref<128xi32, #tpu.memory_space<vmem>>
    %dma_start3A_116 = arith.constant 0 : i32
    %dma_start3A_117 = tpu.memref_slice %arg5[%dma_start3A_116] : memref<1000000xf32, #tpu.memory_space<hbm>> -> memref<1000000xf32, #tpu.memory_space<hbm>>
    tpu.enqueue_indirect_dma source(%dma_start3A_117 : memref<1000000xf32, #tpu.memory_space<hbm>>) target(%dma_start3A_112 : memref<128xf32, #tpu.memory_space<vmem>>) offsets(%dma_start3A_115 : memref<128xi32, #tpu.memory_space<vmem>>) semaphore(%arg20 : memref<!tpu.dma_semaphore, #tpu.memory_space<semaphore_mem>>)
    %dma_start3A_118 = arith.constant 2 : i32
    %dma_start3A_119 = arith.constant 256 : i32
    %dma_start3A_120 = tpu.memref_slice %arg17[%dma_start3A_119] : memref<512xf32, #tpu.memory_space<vmem>> -> memref<128xf32, #tpu.memory_space<vmem>>
    %dma_start3A_121 = arith.constant 0 : i32
    %dma_start3A_122 = tpu.memref_slice %arg12[%dma_start3A_118, %dma_start3A_121] : memref<4x128xi32, #tpu.memory_space<vmem>> -> memref<1x128xi32, #tpu.memory_space<vmem>>
    %dma_start3A_123 = tpu.memref_squeeze %dma_start3A_122 : memref<1x128xi32, #tpu.memory_space<vmem>> -> memref<128xi32, #tpu.memory_space<vmem>>
    %dma_start3A_124 = arith.constant 0 : i32
    %dma_start3A_125 = tpu.memref_slice %arg8[%dma_start3A_124] : memref<1000000xf32, #tpu.memory_space<hbm>> -> memref<1000000xf32, #tpu.memory_space<hbm>>
    tpu.enqueue_indirect_dma source(%dma_start3A_125 : memref<1000000xf32, #tpu.memory_space<hbm>>) target(%dma_start3A_120 : memref<128xf32, #tpu.memory_space<vmem>>) offsets(%dma_start3A_123 : memref<128xi32, #tpu.memory_space<vmem>>) semaphore(%arg20 : memref<!tpu.dma_semaphore, #tpu.memory_space<semaphore_mem>>)
    %dma_start3A_126 = arith.constant 3 : i32
    %dma_start3A_127 = arith.constant 384 : i32
    %dma_start3A_128 = tpu.memref_slice %arg13[%dma_start3A_127] : memref<512xf32, #tpu.memory_space<vmem>> -> memref<128xf32, #tpu.memory_space<vmem>>
    %dma_start3A_129 = arith.constant 0 : i32
    %dma_start3A_130 = tpu.memref_slice %arg11[%dma_start3A_126, %dma_start3A_129] : memref<4x128xi32, #tpu.memory_space<vmem>> -> memref<1x128xi32, #tpu.memory_space<vmem>>
    %dma_start3A_131 = tpu.memref_squeeze %dma_start3A_130 : memref<1x128xi32, #tpu.memory_space<vmem>> -> memref<128xi32, #tpu.memory_space<vmem>>
    %dma_start3A_132 = arith.constant 0 : i32
    %dma_start3A_133 = tpu.memref_slice %arg4[%dma_start3A_132] : memref<1000000xf32, #tpu.memory_space<hbm>> -> memref<1000000xf32, #tpu.memory_space<hbm>>
    tpu.enqueue_indirect_dma source(%dma_start3A_133 : memref<1000000xf32, #tpu.memory_space<hbm>>) target(%dma_start3A_128 : memref<128xf32, #tpu.memory_space<vmem>>) offsets(%dma_start3A_131 : memref<128xi32, #tpu.memory_space<vmem>>) semaphore(%arg20 : memref<!tpu.dma_semaphore, #tpu.memory_space<semaphore_mem>>)
    %dma_start3A_134 = arith.constant 3 : i32
    %dma_start3A_135 = arith.constant 384 : i32
    %dma_start3A_136 = tpu.memref_slice %arg15[%dma_start3A_135] : memref<512xf32, #tpu.memory_space<vmem>> -> memref<128xf32, #tpu.memory_space<vmem>>
    %dma_start3A_137 = arith.constant 0 : i32
    %dma_start3A_138 = tpu.memref_slice %arg11[%dma_start3A_134, %dma_start3A_137] : memref<4x128xi32, #tpu.memory_space<vmem>> -> memref<1x128xi32, #tpu.memory_space<vmem>>
    %dma_start3A_139 = tpu.memref_squeeze %dma_start3A_138 : memref<1x128xi32, #tpu.memory_space<vmem>> -> memref<128xi32, #tpu.memory_space<vmem>>
    %dma_start3A_140 = arith.constant 0 : i32
    %dma_start3A_141 = tpu.memref_slice %arg6[%dma_start3A_140] : memref<1000000xf32, #tpu.memory_space<hbm>> -> memref<1000000xf32, #tpu.memory_space<hbm>>
    tpu.enqueue_indirect_dma source(%dma_start3A_141 : memref<1000000xf32, #tpu.memory_space<hbm>>) target(%dma_start3A_136 : memref<128xf32, #tpu.memory_space<vmem>>) offsets(%dma_start3A_139 : memref<128xi32, #tpu.memory_space<vmem>>) semaphore(%arg20 : memref<!tpu.dma_semaphore, #tpu.memory_space<semaphore_mem>>)
    %dma_start3A_142 = arith.constant 3 : i32
    %dma_start3A_143 = arith.constant 384 : i32
    %dma_start3A_144 = tpu.memref_slice %arg16[%dma_start3A_143] : memref<512xf32, #tpu.memory_space<vmem>> -> memref<128xf32, #tpu.memory_space<vmem>>
    %dma_start3A_145 = arith.constant 0 : i32
    %dma_start3A_146 = tpu.memref_slice %arg11[%dma_start3A_142, %dma_start3A_145] : memref<4x128xi32, #tpu.memory_space<vmem>> -> memref<1x128xi32, #tpu.memory_space<vmem>>
    %dma_start3A_147 = tpu.memref_squeeze %dma_start3A_146 : memref<1x128xi32, #tpu.memory_space<vmem>> -> memref<128xi32, #tpu.memory_space<vmem>>
    %dma_start3A_148 = arith.constant 0 : i32
    %dma_start3A_149 = tpu.memref_slice %arg7[%dma_start3A_148] : memref<1000000xf32, #tpu.memory_space<hbm>> -> memref<1000000xf32, #tpu.memory_space<hbm>>
    tpu.enqueue_indirect_dma source(%dma_start3A_149 : memref<1000000xf32, #tpu.memory_space<hbm>>) target(%dma_start3A_144 : memref<128xf32, #tpu.memory_space<vmem>>) offsets(%dma_start3A_147 : memref<128xi32, #tpu.memory_space<vmem>>) semaphore(%arg20 : memref<!tpu.dma_semaphore, #tpu.memory_space<semaphore_mem>>)
    %dma_start3A_150 = arith.constant 3 : i32
    %dma_start3A_151 = arith.constant 384 : i32
    %dma_start3A_152 = tpu.memref_slice %arg14[%dma_start3A_151] : memref<512xf32, #tpu.memory_space<vmem>> -> memref<128xf32, #tpu.memory_space<vmem>>
    %dma_start3A_153 = arith.constant 0 : i32
    %dma_start3A_154 = tpu.memref_slice %arg12[%dma_start3A_150, %dma_start3A_153] : memref<4x128xi32, #tpu.memory_space<vmem>> -> memref<1x128xi32, #tpu.memory_space<vmem>>
    %dma_start3A_155 = tpu.memref_squeeze %dma_start3A_154 : memref<1x128xi32, #tpu.memory_space<vmem>> -> memref<128xi32, #tpu.memory_space<vmem>>
    %dma_start3A_156 = arith.constant 0 : i32
    %dma_start3A_157 = tpu.memref_slice %arg5[%dma_start3A_156] : memref<1000000xf32, #tpu.memory_space<hbm>> -> memref<1000000xf32, #tpu.memory_space<hbm>>
    tpu.enqueue_indirect_dma source(%dma_start3A_157 : memref<1000000xf32, #tpu.memory_space<hbm>>) target(%dma_start3A_152 : memref<128xf32, #tpu.memory_space<vmem>>) offsets(%dma_start3A_155 : memref<128xi32, #tpu.memory_space<vmem>>) semaphore(%arg20 : memref<!tpu.dma_semaphore, #tpu.memory_space<semaphore_mem>>)
    %dma_start3A_158 = arith.constant 3 : i32
    %dma_start3A_159 = arith.constant 384 : i32
    %dma_start3A_160 = tpu.memref_slice %arg17[%dma_start3A_159] : memref<512xf32, #tpu.memory_space<vmem>> -> memref<128xf32, #tpu.memory_space<vmem>>
    %dma_start3A_161 = arith.constant 0 : i32
    %dma_start3A_162 = tpu.memref_slice %arg12[%dma_start3A_158, %dma_start3A_161] : memref<4x128xi32, #tpu.memory_space<vmem>> -> memref<1x128xi32, #tpu.memory_space<vmem>>
    %dma_start3A_163 = tpu.memref_squeeze %dma_start3A_162 : memref<1x128xi32, #tpu.memory_space<vmem>> -> memref<128xi32, #tpu.memory_space<vmem>>
    %dma_start3A_164 = arith.constant 0 : i32
    %dma_start3A_165 = tpu.memref_slice %arg8[%dma_start3A_164] : memref<1000000xf32, #tpu.memory_space<hbm>> -> memref<1000000xf32, #tpu.memory_space<hbm>>
    tpu.enqueue_indirect_dma source(%dma_start3A_165 : memref<1000000xf32, #tpu.memory_space<hbm>>) target(%dma_start3A_160 : memref<128xf32, #tpu.memory_space<vmem>>) offsets(%dma_start3A_163 : memref<128xi32, #tpu.memory_space<vmem>>) semaphore(%arg20 : memref<!tpu.dma_semaphore, #tpu.memory_space<semaphore_mem>>)
    %dma_wait3A = arith.constant 0 : i32
    %dma_wait3A_166 = arith.constant 0 : i32
    %dma_wait3A_167 = tpu.memref_slice %arg13[%dma_wait3A_166] : memref<512xf32, #tpu.memory_space<vmem>> -> memref<128xf32, #tpu.memory_space<vmem>>
    %dma_wait3A_168 = arith.constant 0 : i32
    %dma_wait3A_169 = tpu.memref_slice %arg11[%dma_wait3A, %dma_wait3A_168] : memref<4x128xi32, #tpu.memory_space<vmem>> -> memref<1x128xi32, #tpu.memory_space<vmem>>
    %dma_wait3A_170 = tpu.memref_squeeze %dma_wait3A_169 : memref<1x128xi32, #tpu.memory_space<vmem>> -> memref<128xi32, #tpu.memory_space<vmem>>
    %dma_wait3A_171 = arith.constant 0 : i32
    %dma_wait3A_172 = tpu.memref_slice %arg4[%dma_wait3A_171] : memref<1000000xf32, #tpu.memory_space<hbm>> -> memref<1000000xf32, #tpu.memory_space<hbm>>
    tpu.wait_indirect_dma semaphore(%arg20 : memref<!tpu.dma_semaphore, #tpu.memory_space<semaphore_mem>>) src(%dma_wait3A_172 : memref<1000000xf32, #tpu.memory_space<hbm>>) dst(%dma_wait3A_167 : memref<128xf32, #tpu.memory_space<vmem>>)
    %dma_wait3A_173 = arith.constant 0 : i32
    %dma_wait3A_174 = arith.constant 0 : i32
    %dma_wait3A_175 = tpu.memref_slice %arg15[%dma_wait3A_174] : memref<512xf32, #tpu.memory_space<vmem>> -> memref<128xf32, #tpu.memory_space<vmem>>
    %dma_wait3A_176 = arith.constant 0 : i32
    %dma_wait3A_177 = tpu.memref_slice %arg11[%dma_wait3A_173, %dma_wait3A_176] : memref<4x128xi32, #tpu.memory_space<vmem>> -> memref<1x128xi32, #tpu.memory_space<vmem>>
    %dma_wait3A_178 = tpu.memref_squeeze %dma_wait3A_177 : memref<1x128xi32, #tpu.memory_space<vmem>> -> memref<128xi32, #tpu.memory_space<vmem>>
    %dma_wait3A_179 = arith.constant 0 : i32
    %dma_wait3A_180 = tpu.memref_slice %arg6[%dma_wait3A_179] : memref<1000000xf32, #tpu.memory_space<hbm>> -> memref<1000000xf32, #tpu.memory_space<hbm>>
    tpu.wait_indirect_dma semaphore(%arg20 : memref<!tpu.dma_semaphore, #tpu.memory_space<semaphore_mem>>) src(%dma_wait3A_180 : memref<1000000xf32, #tpu.memory_space<hbm>>) dst(%dma_wait3A_175 : memref<128xf32, #tpu.memory_space<vmem>>)
    %dma_wait3A_181 = arith.constant 0 : i32
    %dma_wait3A_182 = arith.constant 0 : i32
    %dma_wait3A_183 = tpu.memref_slice %arg16[%dma_wait3A_182] : memref<512xf32, #tpu.memory_space<vmem>> -> memref<128xf32, #tpu.memory_space<vmem>>
    %dma_wait3A_184 = arith.constant 0 : i32
    %dma_wait3A_185 = tpu.memref_slice %arg11[%dma_wait3A_181, %dma_wait3A_184] : memref<4x128xi32, #tpu.memory_space<vmem>> -> memref<1x128xi32, #tpu.memory_space<vmem>>
    %dma_wait3A_186 = tpu.memref_squeeze %dma_wait3A_185 : memref<1x128xi32, #tpu.memory_space<vmem>> -> memref<128xi32, #tpu.memory_space<vmem>>
    %dma_wait3A_187 = arith.constant 0 : i32
    %dma_wait3A_188 = tpu.memref_slice %arg7[%dma_wait3A_187] : memref<1000000xf32, #tpu.memory_space<hbm>> -> memref<1000000xf32, #tpu.memory_space<hbm>>
    tpu.wait_indirect_dma semaphore(%arg20 : memref<!tpu.dma_semaphore, #tpu.memory_space<semaphore_mem>>) src(%dma_wait3A_188 : memref<1000000xf32, #tpu.memory_space<hbm>>) dst(%dma_wait3A_183 : memref<128xf32, #tpu.memory_space<vmem>>)
    %dma_wait3A_189 = arith.constant 0 : i32
    %dma_wait3A_190 = arith.constant 0 : i32
    %dma_wait3A_191 = tpu.memref_slice %arg14[%dma_wait3A_190] : memref<512xf32, #tpu.memory_space<vmem>> -> memref<128xf32, #tpu.memory_space<vmem>>
    %dma_wait3A_192 = arith.constant 0 : i32
    %dma_wait3A_193 = tpu.memref_slice %arg12[%dma_wait3A_189, %dma_wait3A_192] : memref<4x128xi32, #tpu.memory_space<vmem>> -> memref<1x128xi32, #tpu.memory_space<vmem>>
    %dma_wait3A_194 = tpu.memref_squeeze %dma_wait3A_193 : memref<1x128xi32, #tpu.memory_space<vmem>> -> memref<128xi32, #tpu.memory_space<vmem>>
    %dma_wait3A_195 = arith.constant 0 : i32
    %dma_wait3A_196 = tpu.memref_slice %arg5[%dma_wait3A_195] : memref<1000000xf32, #tpu.memory_space<hbm>> -> memref<1000000xf32, #tpu.memory_space<hbm>>
    tpu.wait_indirect_dma semaphore(%arg20 : memref<!tpu.dma_semaphore, #tpu.memory_space<semaphore_mem>>) src(%dma_wait3A_196 : memref<1000000xf32, #tpu.memory_space<hbm>>) dst(%dma_wait3A_191 : memref<128xf32, #tpu.memory_space<vmem>>)
    %dma_wait3A_197 = arith.constant 0 : i32
    %dma_wait3A_198 = arith.constant 0 : i32
    %dma_wait3A_199 = tpu.memref_slice %arg17[%dma_wait3A_198] : memref<512xf32, #tpu.memory_space<vmem>> -> memref<128xf32, #tpu.memory_space<vmem>>
    %dma_wait3A_200 = arith.constant 0 : i32
    %dma_wait3A_201 = tpu.memref_slice %arg12[%dma_wait3A_197, %dma_wait3A_200] : memref<4x128xi32, #tpu.memory_space<vmem>> -> memref<1x128xi32, #tpu.memory_space<vmem>>
    %dma_wait3A_202 = tpu.memref_squeeze %dma_wait3A_201 : memref<1x128xi32, #tpu.memory_space<vmem>> -> memref<128xi32, #tpu.memory_space<vmem>>
    %dma_wait3A_203 = arith.constant 0 : i32
    %dma_wait3A_204 = tpu.memref_slice %arg8[%dma_wait3A_203] : memref<1000000xf32, #tpu.memory_space<hbm>> -> memref<1000000xf32, #tpu.memory_space<hbm>>
    tpu.wait_indirect_dma semaphore(%arg20 : memref<!tpu.dma_semaphore, #tpu.memory_space<semaphore_mem>>) src(%dma_wait3A_204 : memref<1000000xf32, #tpu.memory_space<hbm>>) dst(%dma_wait3A_199 : memref<128xf32, #tpu.memory_space<vmem>>)
    %dma_wait3A_205 = arith.constant 1 : i32
    %dma_wait3A_206 = arith.constant 128 : i32
    %dma_wait3A_207 = tpu.memref_slice %arg13[%dma_wait3A_206] : memref<512xf32, #tpu.memory_space<vmem>> -> memref<128xf32, #tpu.memory_space<vmem>>
    %dma_wait3A_208 = arith.constant 0 : i32
    %dma_wait3A_209 = tpu.memref_slice %arg11[%dma_wait3A_205, %dma_wait3A_208] : memref<4x128xi32, #tpu.memory_space<vmem>> -> memref<1x128xi32, #tpu.memory_space<vmem>>
    %dma_wait3A_210 = tpu.memref_squeeze %dma_wait3A_209 : memref<1x128xi32, #tpu.memory_space<vmem>> -> memref<128xi32, #tpu.memory_space<vmem>>
    %dma_wait3A_211 = arith.constant 0 : i32
    %dma_wait3A_212 = tpu.memref_slice %arg4[%dma_wait3A_211] : memref<1000000xf32, #tpu.memory_space<hbm>> -> memref<1000000xf32, #tpu.memory_space<hbm>>
    tpu.wait_indirect_dma semaphore(%arg20 : memref<!tpu.dma_semaphore, #tpu.memory_space<semaphore_mem>>) src(%dma_wait3A_212 : memref<1000000xf32, #tpu.memory_space<hbm>>) dst(%dma_wait3A_207 : memref<128xf32, #tpu.memory_space<vmem>>)
    %dma_wait3A_213 = arith.constant 1 : i32
    %dma_wait3A_214 = arith.constant 128 : i32
    %dma_wait3A_215 = tpu.memref_slice %arg15[%dma_wait3A_214] : memref<512xf32, #tpu.memory_space<vmem>> -> memref<128xf32, #tpu.memory_space<vmem>>
    %dma_wait3A_216 = arith.constant 0 : i32
    %dma_wait3A_217 = tpu.memref_slice %arg11[%dma_wait3A_213, %dma_wait3A_216] : memref<4x128xi32, #tpu.memory_space<vmem>> -> memref<1x128xi32, #tpu.memory_space<vmem>>
    %dma_wait3A_218 = tpu.memref_squeeze %dma_wait3A_217 : memref<1x128xi32, #tpu.memory_space<vmem>> -> memref<128xi32, #tpu.memory_space<vmem>>
    %dma_wait3A_219 = arith.constant 0 : i32
    %dma_wait3A_220 = tpu.memref_slice %arg6[%dma_wait3A_219] : memref<1000000xf32, #tpu.memory_space<hbm>> -> memref<1000000xf32, #tpu.memory_space<hbm>>
    tpu.wait_indirect_dma semaphore(%arg20 : memref<!tpu.dma_semaphore, #tpu.memory_space<semaphore_mem>>) src(%dma_wait3A_220 : memref<1000000xf32, #tpu.memory_space<hbm>>) dst(%dma_wait3A_215 : memref<128xf32, #tpu.memory_space<vmem>>)
    %dma_wait3A_221 = arith.constant 1 : i32
    %dma_wait3A_222 = arith.constant 128 : i32
    %dma_wait3A_223 = tpu.memref_slice %arg16[%dma_wait3A_222] : memref<512xf32, #tpu.memory_space<vmem>> -> memref<128xf32, #tpu.memory_space<vmem>>
    %dma_wait3A_224 = arith.constant 0 : i32
    %dma_wait3A_225 = tpu.memref_slice %arg11[%dma_wait3A_221, %dma_wait3A_224] : memref<4x128xi32, #tpu.memory_space<vmem>> -> memref<1x128xi32, #tpu.memory_space<vmem>>
    %dma_wait3A_226 = tpu.memref_squeeze %dma_wait3A_225 : memref<1x128xi32, #tpu.memory_space<vmem>> -> memref<128xi32, #tpu.memory_space<vmem>>
    %dma_wait3A_227 = arith.constant 0 : i32
    %dma_wait3A_228 = tpu.memref_slice %arg7[%dma_wait3A_227] : memref<1000000xf32, #tpu.memory_space<hbm>> -> memref<1000000xf32, #tpu.memory_space<hbm>>
    tpu.wait_indirect_dma semaphore(%arg20 : memref<!tpu.dma_semaphore, #tpu.memory_space<semaphore_mem>>) src(%dma_wait3A_228 : memref<1000000xf32, #tpu.memory_space<hbm>>) dst(%dma_wait3A_223 : memref<128xf32, #tpu.memory_space<vmem>>)
    %dma_wait3A_229 = arith.constant 1 : i32
    %dma_wait3A_230 = arith.constant 128 : i32
    %dma_wait3A_231 = tpu.memref_slice %arg14[%dma_wait3A_230] : memref<512xf32, #tpu.memory_space<vmem>> -> memref<128xf32, #tpu.memory_space<vmem>>
    %dma_wait3A_232 = arith.constant 0 : i32
    %dma_wait3A_233 = tpu.memref_slice %arg12[%dma_wait3A_229, %dma_wait3A_232] : memref<4x128xi32, #tpu.memory_space<vmem>> -> memref<1x128xi32, #tpu.memory_space<vmem>>
    %dma_wait3A_234 = tpu.memref_squeeze %dma_wait3A_233 : memref<1x128xi32, #tpu.memory_space<vmem>> -> memref<128xi32, #tpu.memory_space<vmem>>
    %dma_wait3A_235 = arith.constant 0 : i32
    %dma_wait3A_236 = tpu.memref_slice %arg5[%dma_wait3A_235] : memref<1000000xf32, #tpu.memory_space<hbm>> -> memref<1000000xf32, #tpu.memory_space<hbm>>
    tpu.wait_indirect_dma semaphore(%arg20 : memref<!tpu.dma_semaphore, #tpu.memory_space<semaphore_mem>>) src(%dma_wait3A_236 : memref<1000000xf32, #tpu.memory_space<hbm>>) dst(%dma_wait3A_231 : memref<128xf32, #tpu.memory_space<vmem>>)
    %dma_wait3A_237 = arith.constant 1 : i32
    %dma_wait3A_238 = arith.constant 128 : i32
    %dma_wait3A_239 = tpu.memref_slice %arg17[%dma_wait3A_238] : memref<512xf32, #tpu.memory_space<vmem>> -> memref<128xf32, #tpu.memory_space<vmem>>
    %dma_wait3A_240 = arith.constant 0 : i32
    %dma_wait3A_241 = tpu.memref_slice %arg12[%dma_wait3A_237, %dma_wait3A_240] : memref<4x128xi32, #tpu.memory_space<vmem>> -> memref<1x128xi32, #tpu.memory_space<vmem>>
    %dma_wait3A_242 = tpu.memref_squeeze %dma_wait3A_241 : memref<1x128xi32, #tpu.memory_space<vmem>> -> memref<128xi32, #tpu.memory_space<vmem>>
    %dma_wait3A_243 = arith.constant 0 : i32
    %dma_wait3A_244 = tpu.memref_slice %arg8[%dma_wait3A_243] : memref<1000000xf32, #tpu.memory_space<hbm>> -> memref<1000000xf32, #tpu.memory_space<hbm>>
    tpu.wait_indirect_dma semaphore(%arg20 : memref<!tpu.dma_semaphore, #tpu.memory_space<semaphore_mem>>) src(%dma_wait3A_244 : memref<1000000xf32, #tpu.memory_space<hbm>>) dst(%dma_wait3A_239 : memref<128xf32, #tpu.memory_space<vmem>>)
    %dma_wait3A_245 = arith.constant 2 : i32
    %dma_wait3A_246 = arith.constant 256 : i32
    %dma_wait3A_247 = tpu.memref_slice %arg13[%dma_wait3A_246] : memref<512xf32, #tpu.memory_space<vmem>> -> memref<128xf32, #tpu.memory_space<vmem>>
    %dma_wait3A_248 = arith.constant 0 : i32
    %dma_wait3A_249 = tpu.memref_slice %arg11[%dma_wait3A_245, %dma_wait3A_248] : memref<4x128xi32, #tpu.memory_space<vmem>> -> memref<1x128xi32, #tpu.memory_space<vmem>>
    %dma_wait3A_250 = tpu.memref_squeeze %dma_wait3A_249 : memref<1x128xi32, #tpu.memory_space<vmem>> -> memref<128xi32, #tpu.memory_space<vmem>>
    %dma_wait3A_251 = arith.constant 0 : i32
    %dma_wait3A_252 = tpu.memref_slice %arg4[%dma_wait3A_251] : memref<1000000xf32, #tpu.memory_space<hbm>> -> memref<1000000xf32, #tpu.memory_space<hbm>>
    tpu.wait_indirect_dma semaphore(%arg20 : memref<!tpu.dma_semaphore, #tpu.memory_space<semaphore_mem>>) src(%dma_wait3A_252 : memref<1000000xf32, #tpu.memory_space<hbm>>) dst(%dma_wait3A_247 : memref<128xf32, #tpu.memory_space<vmem>>)
    %dma_wait3A_253 = arith.constant 2 : i32
    %dma_wait3A_254 = arith.constant 256 : i32
    %dma_wait3A_255 = tpu.memref_slice %arg15[%dma_wait3A_254] : memref<512xf32, #tpu.memory_space<vmem>> -> memref<128xf32, #tpu.memory_space<vmem>>
    %dma_wait3A_256 = arith.constant 0 : i32
    %dma_wait3A_257 = tpu.memref_slice %arg11[%dma_wait3A_253, %dma_wait3A_256] : memref<4x128xi32, #tpu.memory_space<vmem>> -> memref<1x128xi32, #tpu.memory_space<vmem>>
    %dma_wait3A_258 = tpu.memref_squeeze %dma_wait3A_257 : memref<1x128xi32, #tpu.memory_space<vmem>> -> memref<128xi32, #tpu.memory_space<vmem>>
    %dma_wait3A_259 = arith.constant 0 : i32
    %dma_wait3A_260 = tpu.memref_slice %arg6[%dma_wait3A_259] : memref<1000000xf32, #tpu.memory_space<hbm>> -> memref<1000000xf32, #tpu.memory_space<hbm>>
    tpu.wait_indirect_dma semaphore(%arg20 : memref<!tpu.dma_semaphore, #tpu.memory_space<semaphore_mem>>) src(%dma_wait3A_260 : memref<1000000xf32, #tpu.memory_space<hbm>>) dst(%dma_wait3A_255 : memref<128xf32, #tpu.memory_space<vmem>>)
    %dma_wait3A_261 = arith.constant 2 : i32
    %dma_wait3A_262 = arith.constant 256 : i32
    %dma_wait3A_263 = tpu.memref_slice %arg16[%dma_wait3A_262] : memref<512xf32, #tpu.memory_space<vmem>> -> memref<128xf32, #tpu.memory_space<vmem>>
    %dma_wait3A_264 = arith.constant 0 : i32
    %dma_wait3A_265 = tpu.memref_slice %arg11[%dma_wait3A_261, %dma_wait3A_264] : memref<4x128xi32, #tpu.memory_space<vmem>> -> memref<1x128xi32, #tpu.memory_space<vmem>>
    %dma_wait3A_266 = tpu.memref_squeeze %dma_wait3A_265 : memref<1x128xi32, #tpu.memory_space<vmem>> -> memref<128xi32, #tpu.memory_space<vmem>>
    %dma_wait3A_267 = arith.constant 0 : i32
    %dma_wait3A_268 = tpu.memref_slice %arg7[%dma_wait3A_267] : memref<1000000xf32, #tpu.memory_space<hbm>> -> memref<1000000xf32, #tpu.memory_space<hbm>>
    tpu.wait_indirect_dma semaphore(%arg20 : memref<!tpu.dma_semaphore, #tpu.memory_space<semaphore_mem>>) src(%dma_wait3A_268 : memref<1000000xf32, #tpu.memory_space<hbm>>) dst(%dma_wait3A_263 : memref<128xf32, #tpu.memory_space<vmem>>)
    %dma_wait3A_269 = arith.constant 2 : i32
    %dma_wait3A_270 = arith.constant 256 : i32
    %dma_wait3A_271 = tpu.memref_slice %arg14[%dma_wait3A_270] : memref<512xf32, #tpu.memory_space<vmem>> -> memref<128xf32, #tpu.memory_space<vmem>>
    %dma_wait3A_272 = arith.constant 0 : i32
    %dma_wait3A_273 = tpu.memref_slice %arg12[%dma_wait3A_269, %dma_wait3A_272] : memref<4x128xi32, #tpu.memory_space<vmem>> -> memref<1x128xi32, #tpu.memory_space<vmem>>
    %dma_wait3A_274 = tpu.memref_squeeze %dma_wait3A_273 : memref<1x128xi32, #tpu.memory_space<vmem>> -> memref<128xi32, #tpu.memory_space<vmem>>
    %dma_wait3A_275 = arith.constant 0 : i32
    %dma_wait3A_276 = tpu.memref_slice %arg5[%dma_wait3A_275] : memref<1000000xf32, #tpu.memory_space<hbm>> -> memref<1000000xf32, #tpu.memory_space<hbm>>
    tpu.wait_indirect_dma semaphore(%arg20 : memref<!tpu.dma_semaphore, #tpu.memory_space<semaphore_mem>>) src(%dma_wait3A_276 : memref<1000000xf32, #tpu.memory_space<hbm>>) dst(%dma_wait3A_271 : memref<128xf32, #tpu.memory_space<vmem>>)
    %dma_wait3A_277 = arith.constant 2 : i32
    %dma_wait3A_278 = arith.constant 256 : i32
    %dma_wait3A_279 = tpu.memref_slice %arg17[%dma_wait3A_278] : memref<512xf32, #tpu.memory_space<vmem>> -> memref<128xf32, #tpu.memory_space<vmem>>
    %dma_wait3A_280 = arith.constant 0 : i32
    %dma_wait3A_281 = tpu.memref_slice %arg12[%dma_wait3A_277, %dma_wait3A_280] : memref<4x128xi32, #tpu.memory_space<vmem>> -> memref<1x128xi32, #tpu.memory_space<vmem>>
    %dma_wait3A_282 = tpu.memref_squeeze %dma_wait3A_281 : memref<1x128xi32, #tpu.memory_space<vmem>> -> memref<128xi32, #tpu.memory_space<vmem>>
    %dma_wait3A_283 = arith.constant 0 : i32
    %dma_wait3A_284 = tpu.memref_slice %arg8[%dma_wait3A_283] : memref<1000000xf32, #tpu.memory_space<hbm>> -> memref<1000000xf32, #tpu.memory_space<hbm>>
    tpu.wait_indirect_dma semaphore(%arg20 : memref<!tpu.dma_semaphore, #tpu.memory_space<semaphore_mem>>) src(%dma_wait3A_284 : memref<1000000xf32, #tpu.memory_space<hbm>>) dst(%dma_wait3A_279 : memref<128xf32, #tpu.memory_space<vmem>>)
    %dma_wait3A_285 = arith.constant 3 : i32
    %dma_wait3A_286 = arith.constant 384 : i32
    %dma_wait3A_287 = tpu.memref_slice %arg13[%dma_wait3A_286] : memref<512xf32, #tpu.memory_space<vmem>> -> memref<128xf32, #tpu.memory_space<vmem>>
    %dma_wait3A_288 = arith.constant 0 : i32
    %dma_wait3A_289 = tpu.memref_slice %arg11[%dma_wait3A_285, %dma_wait3A_288] : memref<4x128xi32, #tpu.memory_space<vmem>> -> memref<1x128xi32, #tpu.memory_space<vmem>>
    %dma_wait3A_290 = tpu.memref_squeeze %dma_wait3A_289 : memref<1x128xi32, #tpu.memory_space<vmem>> -> memref<128xi32, #tpu.memory_space<vmem>>
    %dma_wait3A_291 = arith.constant 0 : i32
    %dma_wait3A_292 = tpu.memref_slice %arg4[%dma_wait3A_291] : memref<1000000xf32, #tpu.memory_space<hbm>> -> memref<1000000xf32, #tpu.memory_space<hbm>>
    tpu.wait_indirect_dma semaphore(%arg20 : memref<!tpu.dma_semaphore, #tpu.memory_space<semaphore_mem>>) src(%dma_wait3A_292 : memref<1000000xf32, #tpu.memory_space<hbm>>) dst(%dma_wait3A_287 : memref<128xf32, #tpu.memory_space<vmem>>)
    %dma_wait3A_293 = arith.constant 3 : i32
    %dma_wait3A_294 = arith.constant 384 : i32
    %dma_wait3A_295 = tpu.memref_slice %arg15[%dma_wait3A_294] : memref<512xf32, #tpu.memory_space<vmem>> -> memref<128xf32, #tpu.memory_space<vmem>>
    %dma_wait3A_296 = arith.constant 0 : i32
    %dma_wait3A_297 = tpu.memref_slice %arg11[%dma_wait3A_293, %dma_wait3A_296] : memref<4x128xi32, #tpu.memory_space<vmem>> -> memref<1x128xi32, #tpu.memory_space<vmem>>
    %dma_wait3A_298 = tpu.memref_squeeze %dma_wait3A_297 : memref<1x128xi32, #tpu.memory_space<vmem>> -> memref<128xi32, #tpu.memory_space<vmem>>
    %dma_wait3A_299 = arith.constant 0 : i32
    %dma_wait3A_300 = tpu.memref_slice %arg6[%dma_wait3A_299] : memref<1000000xf32, #tpu.memory_space<hbm>> -> memref<1000000xf32, #tpu.memory_space<hbm>>
    tpu.wait_indirect_dma semaphore(%arg20 : memref<!tpu.dma_semaphore, #tpu.memory_space<semaphore_mem>>) src(%dma_wait3A_300 : memref<1000000xf32, #tpu.memory_space<hbm>>) dst(%dma_wait3A_295 : memref<128xf32, #tpu.memory_space<vmem>>)
    %dma_wait3A_301 = arith.constant 3 : i32
    %dma_wait3A_302 = arith.constant 384 : i32
    %dma_wait3A_303 = tpu.memref_slice %arg16[%dma_wait3A_302] : memref<512xf32, #tpu.memory_space<vmem>> -> memref<128xf32, #tpu.memory_space<vmem>>
    %dma_wait3A_304 = arith.constant 0 : i32
    %dma_wait3A_305 = tpu.memref_slice %arg11[%dma_wait3A_301, %dma_wait3A_304] : memref<4x128xi32, #tpu.memory_space<vmem>> -> memref<1x128xi32, #tpu.memory_space<vmem>>
    %dma_wait3A_306 = tpu.memref_squeeze %dma_wait3A_305 : memref<1x128xi32, #tpu.memory_space<vmem>> -> memref<128xi32, #tpu.memory_space<vmem>>
    %dma_wait3A_307 = arith.constant 0 : i32
    %dma_wait3A_308 = tpu.memref_slice %arg7[%dma_wait3A_307] : memref<1000000xf32, #tpu.memory_space<hbm>> -> memref<1000000xf32, #tpu.memory_space<hbm>>
    tpu.wait_indirect_dma semaphore(%arg20 : memref<!tpu.dma_semaphore, #tpu.memory_space<semaphore_mem>>) src(%dma_wait3A_308 : memref<1000000xf32, #tpu.memory_space<hbm>>) dst(%dma_wait3A_303 : memref<128xf32, #tpu.memory_space<vmem>>)
    %dma_wait3A_309 = arith.constant 3 : i32
    %dma_wait3A_310 = arith.constant 384 : i32
    %dma_wait3A_311 = tpu.memref_slice %arg14[%dma_wait3A_310] : memref<512xf32, #tpu.memory_space<vmem>> -> memref<128xf32, #tpu.memory_space<vmem>>
    %dma_wait3A_312 = arith.constant 0 : i32
    %dma_wait3A_313 = tpu.memref_slice %arg12[%dma_wait3A_309, %dma_wait3A_312] : memref<4x128xi32, #tpu.memory_space<vmem>> -> memref<1x128xi32, #tpu.memory_space<vmem>>
    %dma_wait3A_314 = tpu.memref_squeeze %dma_wait3A_313 : memref<1x128xi32, #tpu.memory_space<vmem>> -> memref<128xi32, #tpu.memory_space<vmem>>
    %dma_wait3A_315 = arith.constant 0 : i32
    %dma_wait3A_316 = tpu.memref_slice %arg5[%dma_wait3A_315] : memref<1000000xf32, #tpu.memory_space<hbm>> -> memref<1000000xf32, #tpu.memory_space<hbm>>
    tpu.wait_indirect_dma semaphore(%arg20 : memref<!tpu.dma_semaphore, #tpu.memory_space<semaphore_mem>>) src(%dma_wait3A_316 : memref<1000000xf32, #tpu.memory_space<hbm>>) dst(%dma_wait3A_311 : memref<128xf32, #tpu.memory_space<vmem>>)
    %dma_wait3A_317 = arith.constant 3 : i32
    %dma_wait3A_318 = arith.constant 384 : i32
    %dma_wait3A_319 = tpu.memref_slice %arg17[%dma_wait3A_318] : memref<512xf32, #tpu.memory_space<vmem>> -> memref<128xf32, #tpu.memory_space<vmem>>
    %dma_wait3A_320 = arith.constant 0 : i32
    %dma_wait3A_321 = tpu.memref_slice %arg12[%dma_wait3A_317, %dma_wait3A_320] : memref<4x128xi32, #tpu.memory_space<vmem>> -> memref<1x128xi32, #tpu.memory_space<vmem>>
    %dma_wait3A_322 = tpu.memref_squeeze %dma_wait3A_321 : memref<1x128xi32, #tpu.memory_space<vmem>> -> memref<128xi32, #tpu.memory_space<vmem>>
    %dma_wait3A_323 = arith.constant 0 : i32
    %dma_wait3A_324 = tpu.memref_slice %arg8[%dma_wait3A_323] : memref<1000000xf32, #tpu.memory_space<hbm>> -> memref<1000000xf32, #tpu.memory_space<hbm>>
    tpu.wait_indirect_dma semaphore(%arg20 : memref<!tpu.dma_semaphore, #tpu.memory_space<semaphore_mem>>) src(%dma_wait3A_324 : memref<1000000xf32, #tpu.memory_space<hbm>>) dst(%dma_wait3A_319 : memref<128xf32, #tpu.memory_space<vmem>>)
    %broadcast_in_dim3A = arith.constant 0.000000e+00 : f32
    %broadcast_in_dim3A_325 = vector.broadcast %broadcast_in_dim3A : f32 to vector<16xf32>
    %scan3A = arith.constant 0 : i32
    %scan3A_326 = arith.constant 32 : i32
    %scan3A_327 = arith.addi %scan3A, %scan3A_326 : i32
    %scan3A_328 = arith.constant 1 : i32
    %scan3A_329:3 = scf.for %scan3A_348 = %scan3A to %scan3A_327 step %scan3A_328 iter_args(%scan3A_349 = %broadcast_in_dim3A_325, %scan3A_350 = %broadcast_in_dim3A_325, %scan3A_351 = %broadcast_in_dim3A_325) -> (vector<16xf32>, vector<16xf32>, vector<16xf32>)  : i32 {
      %mul3A_352 = arith.constant 16 : i32
      %mul3A_353 = arith.muli %scan3A_348, %mul3A_352 : i32
      %get3A = arith.index_cast %mul3A_353 : i32 to index
      %get3A_354 = tpu.vector_load %arg13[%get3A] {strides = array<i32>} : memref<512xf32, #tpu.memory_space<vmem>>, vector<16xf32>,
      %get3A_355 = vector.shape_cast %get3A_354 : vector<16xf32> to vector<16xf32>
      %get3A_356 = arith.index_cast %mul3A_353 : i32 to index
      %get3A_357 = tpu.vector_load %arg14[%get3A_356] {strides = array<i32>} : memref<512xf32, #tpu.memory_space<vmem>>, vector<16xf32>,
      %get3A_358 = vector.shape_cast %get3A_357 : vector<16xf32> to vector<16xf32>
      %add3A_359 = arith.addf %get3A_355, %get3A_358 : vector<16xf32>
      %swap3A_360 = arith.index_cast %mul3A_353 : i32 to index
      %swap3A_361 = tpu.vector_load %arg18[%swap3A_360] {strides = array<i32>} : memref<512xf32, #tpu.memory_space<vmem>>, vector<16xf32>,
      %swap3A_362 = vector.shape_cast %swap3A_361 : vector<16xf32> to vector<16xf32>
      %swap3A_363 = vector.shape_cast %add3A_359 : vector<16xf32> to vector<16xf32>
      tpu.vector_store %arg18[%swap3A_360], %swap3A_363 {strides = array<i32>} : memref<512xf32, #tpu.memory_space<vmem>>, vector<16xf32>,
      %get3A_364 = arith.index_cast %mul3A_353 : i32 to index
      %get3A_365 = tpu.vector_load %arg15[%get3A_364] {strides = array<i32>} : memref<512xf32, #tpu.memory_space<vmem>>, vector<16xf32>,
      %get3A_366 = vector.shape_cast %get3A_365 : vector<16xf32> to vector<16xf32>
      %add3A_367 = arith.addf %scan3A_349, %get3A_366 : vector<16xf32>
      %get3A_368 = arith.index_cast %mul3A_353 : i32 to index
      %get3A_369 = tpu.vector_load %arg16[%get3A_368] {strides = array<i32>} : memref<512xf32, #tpu.memory_space<vmem>>, vector<16xf32>,
      %get3A_370 = vector.shape_cast %get3A_369 : vector<16xf32> to vector<16xf32>
      %add3A_371 = arith.addf %scan3A_350, %get3A_370 : vector<16xf32>
      %get3A_372 = arith.index_cast %mul3A_353 : i32 to index
      %get3A_373 = tpu.vector_load %arg17[%get3A_372] {strides = array<i32>} : memref<512xf32, #tpu.memory_space<vmem>>, vector<16xf32>,
      %get3A_374 = vector.shape_cast %get3A_373 : vector<16xf32> to vector<16xf32>
      %add3A_375 = arith.addf %scan3A_351, %get3A_374 : vector<16xf32>
      scf.yield %add3A_367, %add3A_371, %add3A_375 : vector<16xf32>, vector<16xf32>, vector<16xf32>
    }
    %scan3A_330 = arith.constant 32 : i32
    %swap3A = arith.constant 0 : i32
    %swap3A_331 = arith.index_cast %swap3A : i32 to index
    %swap3A_332 = arith.constant 0 : index
    %swap3A_333 = tpu.vector_load %arg19[%swap3A_331, %swap3A_332] {strides = array<i32>} : memref<3x16xf32, #tpu.memory_space<vmem>>, vector<1x16xf32>,
    %swap3A_334 = vector.shape_cast %swap3A_333 : vector<1x16xf32> to vector<16xf32>
    %swap3A_335 = vector.shape_cast %scan3A_329#0 : vector<16xf32> to vector<1x16xf32>
    tpu.vector_store %arg19[%swap3A_331, %swap3A_332], %swap3A_335 {strides = array<i32>} : memref<3x16xf32, #tpu.memory_space<vmem>>, vector<1x16xf32>,
    %swap3A_336 = arith.constant 1 : i32
    %swap3A_337 = arith.index_cast %swap3A_336 : i32 to index
    %swap3A_338 = arith.constant 0 : index
    %swap3A_339 = tpu.vector_load %arg19[%swap3A_337, %swap3A_338] {strides = array<i32>} : memref<3x16xf32, #tpu.memory_space<vmem>>, vector<1x16xf32>,
    %swap3A_340 = vector.shape_cast %swap3A_339 : vector<1x16xf32> to vector<16xf32>
    %swap3A_341 = vector.shape_cast %scan3A_329#1 : vector<16xf32> to vector<1x16xf32>
    tpu.vector_store %arg19[%swap3A_337, %swap3A_338], %swap3A_341 {strides = array<i32>} : memref<3x16xf32, #tpu.memory_space<vmem>>, vector<1x16xf32>,
    %swap3A_342 = arith.constant 2 : i32
    %swap3A_343 = arith.index_cast %swap3A_342 : i32 to index
    %swap3A_344 = arith.constant 0 : index
    %swap3A_345 = tpu.vector_load %arg19[%swap3A_343, %swap3A_344] {strides = array<i32>} : memref<3x16xf32, #tpu.memory_space<vmem>>, vector<1x16xf32>,
    %swap3A_346 = vector.shape_cast %swap3A_345 : vector<1x16xf32> to vector<16xf32>
    %swap3A_347 = vector.shape_cast %scan3A_329#2 : vector<16xf32> to vector<1x16xf32>
    tpu.vector_store %arg19[%swap3A_343, %swap3A_344], %swap3A_347 {strides = array<i32>} : memref<3x16xf32, #tpu.memory_space<vmem>>, vector<1x16xf32>,
    "tpu.region"() ({
      %run_scoped3A = tpu.sem_alloc : memref<!tpu.dma_semaphore, #tpu.memory_space<semaphore_mem>>
      %dma_start3A_348 = tpu.memref_slice %arg9[%mul3A_2] : memref<16384xf32, #tpu.memory_space<hbm>> -> memref<512xf32, #tpu.memory_space<hbm>>
      %dma_start3A_349 = tpu.memref_slice %arg9[%mul3A_2] : memref<16384xf32, #tpu.memory_space<hbm>> -> memref<512xf32, #tpu.memory_space<hbm>>
      tpu.enqueue_dma source(%arg18 : memref<512xf32, #tpu.memory_space<vmem>>) target(%dma_start3A_349 : memref<512xf32, #tpu.memory_space<hbm>>) target_semaphore(%run_scoped3A : memref<!tpu.dma_semaphore, #tpu.memory_space<semaphore_mem>>)
      %dma_wait3A_350 = tpu.memref_slice %arg9[%mul3A_2] : memref<16384xf32, #tpu.memory_space<hbm>> -> memref<512xf32, #tpu.memory_space<hbm>>
      %dma_wait3A_351 = tpu.memref_slice %arg9[%mul3A_2] : memref<16384xf32, #tpu.memory_space<hbm>> -> memref<512xf32, #tpu.memory_space<hbm>>
      tpu.wait_dma2 semaphore(%run_scoped3A : memref<!tpu.dma_semaphore, #tpu.memory_space<semaphore_mem>>) src(%arg18 : memref<512xf32, #tpu.memory_space<vmem>>) dst(%dma_wait3A_351 : memref<512xf32, #tpu.memory_space<hbm>>)
      tpu.yield
    }) : () -> ()
    "tpu.region"() ({
      %run_scoped3A = tpu.sem_alloc : memref<!tpu.dma_semaphore, #tpu.memory_space<semaphore_mem>>
      %dma_start3A_348 = arith.constant 0 : i32
      %dma_start3A_349 = arith.constant 0 : i32
      %dma_start3A_350 = tpu.memref_slice %arg10[%add3A, %dma_start3A_348, %dma_start3A_349] : memref<32x3x16xf32, #tpu.memory_space<hbm>> -> memref<1x3x16xf32, #tpu.memory_space<hbm>>
      %dma_start3A_351 = tpu.memref_squeeze %dma_start3A_350 : memref<1x3x16xf32, #tpu.memory_space<hbm>> -> memref<3x16xf32, #tpu.memory_space<hbm>>
      %dma_start3A_352 = arith.constant 0 : i32
      %dma_start3A_353 = arith.constant 0 : i32
      %dma_start3A_354 = tpu.memref_slice %arg10[%add3A, %dma_start3A_352, %dma_start3A_353] : memref<32x3x16xf32, #tpu.memory_space<hbm>> -> memref<1x3x16xf32, #tpu.memory_space<hbm>>
      %dma_start3A_355 = tpu.memref_squeeze %dma_start3A_354 : memref<1x3x16xf32, #tpu.memory_space<hbm>> -> memref<3x16xf32, #tpu.memory_space<hbm>>
      tpu.enqueue_dma source(%arg19 : memref<3x16xf32, #tpu.memory_space<vmem>>) target(%dma_start3A_355 : memref<3x16xf32, #tpu.memory_space<hbm>>) target_semaphore(%run_scoped3A : memref<!tpu.dma_semaphore, #tpu.memory_space<semaphore_mem>>)
      %dma_wait3A_356 = arith.constant 0 : i32
      %dma_wait3A_357 = arith.constant 0 : i32
      %dma_wait3A_358 = tpu.memref_slice %arg10[%add3A, %dma_wait3A_356, %dma_wait3A_357] : memref<32x3x16xf32, #tpu.memory_space<hbm>> -> memref<1x3x16xf32, #tpu.memory_space<hbm>>
      %dma_wait3A_359 = tpu.memref_squeeze %dma_wait3A_358 : memref<1x3x16xf32, #tpu.memory_space<hbm>> -> memref<3x16xf32, #tpu.memory_space<hbm>>
      %dma_wait3A_360 = arith.constant 0 : i32
      %dma_wait3A_361 = arith.constant 0 : i32
      %dma_wait3A_362 = tpu.memref_slice %arg10[%add3A, %dma_wait3A_360, %dma_wait3A_361] : memref<32x3x16xf32, #tpu.memory_space<hbm>> -> memref<1x3x16xf32, #tpu.memory_space<hbm>>
      %dma_wait3A_363 = tpu.memref_squeeze %dma_wait3A_362 : memref<1x3x16xf32, #tpu.memory_space<hbm>> -> memref<3x16xf32, #tpu.memory_space<hbm>>
      tpu.wait_dma2 semaphore(%run_scoped3A : memref<!tpu.dma_semaphore, #tpu.memory_space<semaphore_mem>>) src(%arg19 : memref<3x16xf32, #tpu.memory_space<vmem>>) dst(%dma_wait3A_363 : memref<3x16xf32, #tpu.memory_space<hbm>>)
      tpu.yield
    }) : () -> ()
    return
  }
}

module attributes {stable_mosaic.version = 14 : i64} {
  func.func @_tc_body(%arg0: i32, %arg1: memref<16x65536xf32, #tpu.memory_space<vmem>>, %arg2: memref<16x65536xf32, #tpu.memory_space<vmem>>, %arg3: memref<16x65536xf32, #tpu.memory_space<vmem>>, %arg4: memref<8x16xf32, #tpu.memory_space<vmem>>, %arg5: memref<65536xf32, #tpu.memory_space<vmem>>, %arg6: memref<65536xf32, #tpu.memory_space<vmem>>, %arg7: memref<65536xf32, #tpu.memory_space<vmem>>, %arg8: memref<65536xf32, #tpu.memory_space<vmem>>, %arg9: memref<65536xf32, #tpu.memory_space<vmem>>) attributes {dimension_semantics = [#tpu.dimension_semantics<arbitrary>], iteration_bounds = array<i64: 16>, scalar_prefetch = 0 : i64, scratch_operands = 0 : i64, tpu.core_type = #tpu.core_type<tc>, window_params = [{transform_indices = @transform_0, window_bounds = array<i64: 16, 65536>}, {transform_indices = @transform_1, window_bounds = array<i64: 16, 65536>}, {transform_indices = @transform_2, window_bounds = array<i64: 16, 65536>}, {pipeline_mode = #tpu.pipeline_mode<synchronous>, transform_indices = @transform_3, window_bounds = array<i64: 8, 16>}, {transform_indices = @transform_4, window_bounds = array<i64: 65536>}, {transform_indices = @transform_5, window_bounds = array<i64: 65536>}, {transform_indices = @transform_6, window_bounds = array<i64: 65536>}, {transform_indices = @transform_7, window_bounds = array<i64: 65536>}, {transform_indices = @transform_8, window_bounds = array<i64: 65536>}]} {
    %get3A = arith.constant 0 : index
    %get3A_0 = arith.constant 0 : index
    %get3A_1 = vector.load %arg1[%get3A, %get3A_0] : memref<16x65536xf32, #tpu.memory_space<vmem>>, vector<16x65536xf32>
    %get3A_2 = arith.constant 0 : index
    %get3A_3 = arith.constant 0 : index
    %get3A_4 = vector.load %arg2[%get3A_2, %get3A_3] : memref<16x65536xf32, #tpu.memory_space<vmem>>, vector<16x65536xf32>
    %get3A_5 = arith.constant 0 : index
    %get3A_6 = arith.constant 0 : index
    %get3A_7 = vector.load %arg3[%get3A_5, %get3A_6] : memref<16x65536xf32, #tpu.memory_space<vmem>>, vector<16x65536xf32>
    %get3A_8 = arith.constant 0 : index
    %get3A_9 = arith.constant 0 : index
    %get3A_10 = vector.load %arg4[%get3A_8, %get3A_9] : memref<8x16xf32, #tpu.memory_space<vmem>>, vector<8x16xf32>
    %dot_general3A = arith.constant dense<0.000000e+00> : vector<8x65536xf32>
    %dot_general3A_11 = tpu.matmul %get3A_10, %get3A_1, %dot_general3A {dimension_numbers = #tpu.dot_dimension_numbers<[1], [0], [0], [1], [0, 0, 1, 1], [], []>, transpose_lhs_hint = false} : vector<8x16xf32>, vector<16x65536xf32>, vector<8x65536xf32> -> vector<8x65536xf32>
    %dot_general3A_12 = arith.constant dense<0.000000e+00> : vector<8x65536xf32>
    %dot_general3A_13 = tpu.matmul %get3A_10, %get3A_4, %dot_general3A_12 {dimension_numbers = #tpu.dot_dimension_numbers<[1], [0], [0], [1], [0, 0, 1, 1], [], []>, transpose_lhs_hint = false} : vector<8x16xf32>, vector<16x65536xf32>, vector<8x65536xf32> -> vector<8x65536xf32>
    %dot_general3A_14 = arith.constant dense<0.000000e+00> : vector<8x65536xf32>
    %dot_general3A_15 = tpu.matmul %get3A_10, %get3A_7, %dot_general3A_14 {dimension_numbers = #tpu.dot_dimension_numbers<[1], [0], [0], [1], [0, 0, 1, 1], [], []>, transpose_lhs_hint = false} : vector<8x16xf32>, vector<16x65536xf32>, vector<8x65536xf32> -> vector<8x65536xf32>
    %mul3A = arith.mulf %get3A_1, %get3A_1 : vector<16x65536xf32>
    %dot_general3A_16 = arith.constant dense<0.000000e+00> : vector<8x65536xf32>
    %dot_general3A_17 = tpu.matmul %get3A_10, %mul3A, %dot_general3A_16 {dimension_numbers = #tpu.dot_dimension_numbers<[1], [0], [0], [1], [0, 0, 1, 1], [], []>, transpose_lhs_hint = false} : vector<8x16xf32>, vector<16x65536xf32>, vector<8x65536xf32> -> vector<8x65536xf32>
    %mul3A_18 = arith.mulf %get3A_4, %get3A_4 : vector<16x65536xf32>
    %dot_general3A_19 = arith.constant dense<0.000000e+00> : vector<8x65536xf32>
    %dot_general3A_20 = tpu.matmul %get3A_10, %mul3A_18, %dot_general3A_19 {dimension_numbers = #tpu.dot_dimension_numbers<[1], [0], [0], [1], [0, 0, 1, 1], [], []>, transpose_lhs_hint = false} : vector<8x16xf32>, vector<16x65536xf32>, vector<8x65536xf32> -> vector<8x65536xf32>
    %mul3A_21 = arith.mulf %get3A_7, %get3A_7 : vector<16x65536xf32>
    %dot_general3A_22 = arith.constant dense<0.000000e+00> : vector<8x65536xf32>
    %dot_general3A_23 = tpu.matmul %get3A_10, %mul3A_21, %dot_general3A_22 {dimension_numbers = #tpu.dot_dimension_numbers<[1], [0], [0], [1], [0, 0, 1, 1], [], []>, transpose_lhs_hint = false} : vector<8x16xf32>, vector<16x65536xf32>, vector<8x65536xf32> -> vector<8x65536xf32>
    %slice3A = vector.extract_strided_slice %dot_general3A_11 {offsets = [0, 0], sizes = [1, 65536], strides = [1, 1]} : vector<8x65536xf32> to vector<1x65536xf32>
    %squeeze3A = vector.shape_cast %slice3A : vector<1x65536xf32> to vector<65536xf32>
    %slice3A_24 = vector.extract_strided_slice %dot_general3A_13 {offsets = [1, 0], sizes = [1, 65536], strides = [1, 1]} : vector<8x65536xf32> to vector<1x65536xf32>
    %squeeze3A_25 = vector.shape_cast %slice3A_24 : vector<1x65536xf32> to vector<65536xf32>
    %add3A = arith.addf %squeeze3A, %squeeze3A_25 : vector<65536xf32>
    %swap3A = arith.constant 0 : index
    %swap3A_26 = vector.load %arg5[%swap3A] : memref<65536xf32, #tpu.memory_space<vmem>>, vector<65536xf32>
    tpu.vector_store %arg5[%swap3A], %add3A {strides = array<i32>} : memref<65536xf32, #tpu.memory_space<vmem>>, vector<65536xf32>,
    %slice3A_27 = vector.extract_strided_slice %dot_general3A_15 {offsets = [2, 0], sizes = [1, 65536], strides = [1, 1]} : vector<8x65536xf32> to vector<1x65536xf32>
    %squeeze3A_28 = vector.shape_cast %slice3A_27 : vector<1x65536xf32> to vector<65536xf32>
    %swap3A_29 = arith.constant 0 : index
    %swap3A_30 = vector.load %arg6[%swap3A_29] : memref<65536xf32, #tpu.memory_space<vmem>>, vector<65536xf32>
    tpu.vector_store %arg6[%swap3A_29], %squeeze3A_28 {strides = array<i32>} : memref<65536xf32, #tpu.memory_space<vmem>>, vector<65536xf32>,
    %slice3A_31 = vector.extract_strided_slice %dot_general3A_17 {offsets = [3, 0], sizes = [1, 65536], strides = [1, 1]} : vector<8x65536xf32> to vector<1x65536xf32>
    %squeeze3A_32 = vector.shape_cast %slice3A_31 : vector<1x65536xf32> to vector<65536xf32>
    %swap3A_33 = arith.constant 0 : index
    %swap3A_34 = vector.load %arg7[%swap3A_33] : memref<65536xf32, #tpu.memory_space<vmem>>, vector<65536xf32>
    tpu.vector_store %arg7[%swap3A_33], %squeeze3A_32 {strides = array<i32>} : memref<65536xf32, #tpu.memory_space<vmem>>, vector<65536xf32>,
    %slice3A_35 = vector.extract_strided_slice %dot_general3A_20 {offsets = [3, 0], sizes = [1, 65536], strides = [1, 1]} : vector<8x65536xf32> to vector<1x65536xf32>
    %squeeze3A_36 = vector.shape_cast %slice3A_35 : vector<1x65536xf32> to vector<65536xf32>
    %swap3A_37 = arith.constant 0 : index
    %swap3A_38 = vector.load %arg8[%swap3A_37] : memref<65536xf32, #tpu.memory_space<vmem>>, vector<65536xf32>
    tpu.vector_store %arg8[%swap3A_37], %squeeze3A_36 {strides = array<i32>} : memref<65536xf32, #tpu.memory_space<vmem>>, vector<65536xf32>,
    %slice3A_39 = vector.extract_strided_slice %dot_general3A_23 {offsets = [3, 0], sizes = [1, 65536], strides = [1, 1]} : vector<8x65536xf32> to vector<1x65536xf32>
    %squeeze3A_40 = vector.shape_cast %slice3A_39 : vector<1x65536xf32> to vector<65536xf32>
    %swap3A_41 = arith.constant 0 : index
    %swap3A_42 = vector.load %arg9[%swap3A_41] : memref<65536xf32, #tpu.memory_space<vmem>>, vector<65536xf32>
    tpu.vector_store %arg9[%swap3A_41], %squeeze3A_40 {strides = array<i32>} : memref<65536xf32, #tpu.memory_space<vmem>>, vector<65536xf32>,
    return
  }
  func.func @transform_0(%arg0: i32) -> (i32, i32) {
    %c0_i32 = arith.constant 0 : i32
    %c0_i32_0 = arith.constant 0 : i32
    return %c0_i32, %arg0 : i32, i32
  }
  func.func @transform_1(%arg0: i32) -> (i32, i32) {
    %c0_i32 = arith.constant 0 : i32
    %c0_i32_0 = arith.constant 0 : i32
    return %c0_i32, %arg0 : i32, i32
  }
  func.func @transform_2(%arg0: i32) -> (i32, i32) {
    %c0_i32 = arith.constant 0 : i32
    %c0_i32_0 = arith.constant 0 : i32
    return %c0_i32, %arg0 : i32, i32
  }
  func.func @transform_3(%arg0: i32) -> (i32, i32) {
    %c0_i32 = arith.constant 0 : i32
    %c0_i32_0 = arith.constant 0 : i32
    %c0_i32_1 = arith.constant 0 : i32
    return %c0_i32, %c0_i32_0 : i32, i32
  }
  func.func @transform_4(%arg0: i32) -> i32 {
    %c0_i32 = arith.constant 0 : i32
    return %arg0 : i32
  }
  func.func @transform_5(%arg0: i32) -> i32 {
    %c0_i32 = arith.constant 0 : i32
    return %arg0 : i32
  }
  func.func @transform_6(%arg0: i32) -> i32 {
    %c0_i32 = arith.constant 0 : i32
    return %arg0 : i32
  }
  func.func @transform_7(%arg0: i32) -> i32 {
    %c0_i32 = arith.constant 0 : i32
    return %arg0 : i32
  }
  func.func @transform_8(%arg0: i32) -> i32 {
    %c0_i32 = arith.constant 0 : i32
    return %arg0 : i32
  }
}

</mosaic_0001>

<sc_bundles>
// kernel: kernel.4.cloned.1.call-start
scs
__scs_entry_jumppad:
0x0: {  	(pc) =	sbr.rel $0x88, $3  }
0x1: {  	(tag) =	ssettag $0x0;
	lr =	simm.s32 $0x1  }
0x2: {  	[smem:$0x3F98] =	sst lr;
	_ =	strace $0xD0000000  }
0x3: {  	_ = 	snop  }
0x4: {  	_ = 	snop  }
0x5: {  	_ = 	snop  }
0x6: {  	_ = 	snop  }
0x7: {  	_ = 	snop  }
__scs_overlays_trampoline_lowered:
0x8: {  	[smem:$0x3FA7] =	sst s0  }
0x9: {  	[smem:$0x3FA8] =	sst s1  }
0xa: {  	[smem:$0x3FA9] =	sst s2  }
0xb: {  	[smem:$0x3FAA] =	sst s3  }
0xc: {  	[smem:$0x3FAB] =	sst s4  }
0xd: {  	[smem:$0x3FAC] =	sst s5  }
0xe: {  	[smem:$0x3FAD] =	sst s6  }
0xf: {  	[smem:$0x3FAE] =	sst s7  }
0x10: {  	[smem:$0x3FAF] =	sst s8  }
0x11: {  	[smem:$0x3FB0] =	sst s9;
	s0 =	simm.s32 @!p0 $0x0  }
0x12: {  	s1 =	sld [smem:$0x3F96];
	s0 =	simm.s32 @p0 $0x1  }
0x13: {  	[smem:$0x3FB1] =	sst s0;
	s0 =	simm.s32 @!p1 $0x0  }
0x14: {  	s2 =	sld [smem:$0x3F95];
	s0 =	simm.s32 @p1 $0x1  }
0x15: {  	[smem:$0x3FB2] =	sst s0;
	s0 =	simm.s32 @!p2 $0x0  }
0x16: {  	s3 =	sld [smem:$0x3FDB];
	s0 =	simm.s32 @p2 $0x1  }
0x17: {  	s4 =	simm.s32 $0x1BF5;
	[smem:$0x3FB4] =	sst s0  }
0x18: {  	s0 =	sld [smem:$0x3F97];
	_ =	swait.ge [sflag:s4], $0x0  }
0x19: {  	s7 =	sld [smem:$0x3F98]  }
0x1a: {  	s8 =	sadd.s32 $0xFFFFE003, lr  }
0x1b: {  	s9 =	sadd.s32 $0xFFFFFEF7, lr;
	s5 =	simm.s32 $0xFFFFFFFF;
	p2 =	slt.u32 s8, $0xFFFFF086  }
0x1c: {  	p1 =	slt.u32 s9, $0xF7A;
	s5 =	simm.s32 @!p2 $0x0  }
0x1d: {  	s5 =	simm.s32 @p1 $0x1;
	p0 =	seq.s32 s7, s2  }
0x1e: {  	s7 =	smul.u32 @!p0 $0xF7A, s2;
	p2 =	seq.s32 @!p0 s5, $0x0  }
0x1f: {  	s9 =	smul.u32 $0xF7A, s1;
	s8 =	simm.s32 @!p0 $0x1BF5;
	p2 =	por !p2, p0  }
0x20: {  	[sflag:s8] =	ssyncset.s32 @!p0 $0xFFFFF086;
	s6 =	sadd.s32 @!p0 s3, s7;
	s7 =	simm.s32 @!p0 $0x108  }
0x21: {  	s3 =	sadd.s32 s3, s9;
	s6 =	sadd.s32 @!p0 $0x88, s6;
	s7 =	simm.s32 @p2 $0x1082  }
0x22: {  	[simem:s7], [sflag:s8] =	dma.local @!p0 [hbm:s6], $0xF7A  }
0x23: {  	s9 =	sor.u32 $0xD0000000, s2;
	s6 =	simm.s32 $0x108;
	_ =	swait.ge @!p0 [sflag:s8], $0x0  }
0x24: {  	s3 =	sadd.s32 $0x88, s3;
	s6 =	simm.s32 @!p1 $0x1082;
	[sflag:s4] =	ssyncset.s32 $0xFFFFF086  }
0x25: {  	[simem:s6], [sflag:s4] =	dma.local [hbm:s3], $0xF7A  }
0x26: {  	[smem:$0x3F98] =	sst s1;
	(tag) =	ssettag s2;
	_ =	strace s9  }
0x27: {  	s1 =	sld [smem:$0x3FA8]  }
0x28: {  	s2 =	sld [smem:$0x3FA9]  }
0x29: {  	s4 =	sld [smem:$0x3FAB]  }
0x2a: {  	p0 =	seq.s32 s5, $0x0;
	s5 =	sld [smem:$0x3FAC]  }
0x2b: {  	s6 =	sld [smem:$0x3FAD]  }
0x2c: {  	s7 =	sld [smem:$0x3FAE]  }
0x2d: {  	s3 =	simm.s32 $0x108;
	s8 =	sld [smem:$0x3FAF]  }
0x2e: {  	s3 =	simm.s32 @!p0 $0x1082;
	s9 =	sld [smem:$0x3FB0]  }
0x2f: {  	lr =	sadd.s32 s0, s3;
	s0 =	sld [smem:$0x3FA7]  }
0x30: {  	s3 =	sld [smem:$0x3FAA]  }
0x31: {  	[smem:$0x3FB3] =	sst s10  }
0x32: {  	s10 =	sld [smem:$0x3FB1];
	_ =	sdelay $0x3  }
0x33: {  	p0 =	seq.s32 s10, $0x1;
	s10 =	sld [smem:$0x3FB3];
	_ =	sdelay $0x3  }
0x34: {  	[smem:$0x3FB3] =	sst s10  }
0x35: {  	s10 =	sld [smem:$0x3FB2];
	_ =	sdelay $0x3  }
0x36: {  	p1 =	seq.s32 s10, $0x1;
	s10 =	sld [smem:$0x3FB3];
	_ =	sdelay $0x3  }
0x37: {  	[smem:$0x3FB3] =	sst s10  }
0x38: {  	s10 =	sld [smem:$0x3FB4]  }
0x39: {  	_ = 	snop;
	(pc) =	sbr.ind lr, $3  }
0x3a: {  	_ = 	snop  }
0x3b: {  	_ = 	snop  }
0x3c: {  	p2 =	seq.s32 s10, $0x1;
	s10 =	sld [smem:$0x3FB3]  }
0x3d: {  	_ =	shalt  }
0x3e: {  	_ =	shalt  }
0x3f: {  	_ =	shalt  }
0x40: {  	_ =	shalt  }
0x41: {  	_ =	shalt  }
0x42: {  	_ =	shalt  }
0x43: {  	_ =	shalt  }
0x44: {  	_ =	shalt  }
0x45: {  	_ =	shalt  }
0x46: {  	_ =	shalt  }
0x47: {  	_ =	shalt  }
0x48: {  	_ =	shalt  }
0x49: {  	_ =	shalt  }
0x4a: {  	_ =	shalt  }
0x4b: {  	_ =	shalt  }
0x4c: {  	_ =	shalt  }
0x4d: {  	_ =	shalt  }
0x4e: {  	_ =	shalt  }
0x4f: {  	_ =	shalt  }
0x50: {  	_ =	shalt  }
0x51: {  	_ =	shalt  }
0x52: {  	_ =	shalt  }
0x53: {  	_ =	shalt  }
0x54: {  	_ =	shalt  }
0x55: {  	_ =	shalt  }
0x56: {  	_ =	shalt  }
0x57: {  	_ =	shalt  }
0x58: {  	_ =	shalt  }
0x59: {  	_ =	shalt  }
0x5a: {  	_ =	shalt  }
0x5b: {  	_ =	shalt  }
0x5c: {  	_ =	shalt  }
0x5d: {  	_ =	shalt  }
0x5e: {  	_ =	shalt  }
0x5f: {  	_ =	shalt  }
0x60: {  	_ =	shalt  }
0x61: {  	_ =	shalt  }
0x62: {  	_ =	shalt  }
0x63: {  	_ =	shalt  }
0x64: {  	_ =	shalt  }
0x65: {  	_ =	shalt  }
0x66: {  	_ =	shalt  }
0x67: {  	_ =	shalt  }
0x68: {  	_ =	shalt  }
0x69: {  	_ =	shalt  }
0x6a: {  	_ =	shalt  }
0x6b: {  	_ =	shalt  }
0x6c: {  	_ =	shalt  }
0x6d: {  	_ =	shalt  }
0x6e: {  	_ =	shalt  }
0x6f: {  	_ =	shalt  }
0x70: {  	_ =	shalt  }
0x71: {  	_ =	shalt  }
0x72: {  	_ =	shalt  }
0x73: {  	_ =	shalt  }
0x74: {  	_ =	shalt  }
0x75: {  	_ =	shalt  }
0x76: {  	_ =	shalt  }
0x77: {  	_ =	shalt  }
0x78: {  	_ =	shalt  }
0x79: {  	_ =	shalt  }
0x7a: {  	_ =	shalt  }
0x7b: {  	_ =	shalt  }
0x7c: {  	_ =	shalt  }
0x7d: {  	_ =	shalt  }
0x7e: {  	_ =	shalt  }
0x7f: {  	_ =	shalt  }
0x80: {  	_ =	shalt  }
0x81: {  	_ =	shalt  }
0x82: {  	_ =	shalt  }
0x83: {  	_ =	shalt  }
0x84: {  	_ =	shalt  }
0x85: {  	_ =	shalt  }
0x86: {  	_ =	shalt  }
0x87: {  	_ =	shalt  }
.Lfunc_end0:
.L_simem_size_0:
called_computation_lowered:
.L_overlay_start_0:
0x88: {  	s2 =	sld [smem:$0x3FD9]  }
0x89: {  	s3 =	sld [smem:$0x3FFE];
	_ =	sdelay $0x1  }
0x8a: {  	s1 =	srdreg.scid  }
0x8b: {  	s0 =	sand.u32 $0x1, s1  }
0x8c: {  	s14 =	sshll.u32 s0, $0xA;
	s2 =	sadd.s32 s3, s2  }
0x8d: {  	s2 =	sadd.s32 s2, s14  }
0x8e: {  	[smem:$0x3FBF] =	sst s2  }
0x8f: {  	_ = 	snop  }
0x90: {  	s2 =	sld [smem:$0x3FD0];
	_ =	sdelay $0x1  }
0x91: {  	s15 =	sld [smem:$0x3FC9]  }
0x92: {  	s5 =	simm.s32 $0xA;
	s6 =	simm.s32 $0x10;
	s4 =	sld [smem:$0x3FC8]  }
0x93: {  	[smem:s6], [sflag:s5] =	dma.local [hbm:s2], $0x1  }
0x94: {  	_ =	swait.eq [sflag:s5], $0x1  }
0x95: {  	[sflag:s5] =	ssyncset.done $0x0  }
0x96: {  	[sflag:s5] =	ssyncadd.s32 $0xFFFFFFFF  }
0x97: {  	s16 =	sld [smem:$0x10];
	(tm) =	ssettm $0x1  }
0x98: {  	s17 =	sld [smem:$0x3FFB];
	_ =	sdelay $0x3  }
0x99: {  	_ =	strace s17  }
0x9a: {  	s5 =	sld [smem:$0x3FFC];
	_ =	sdelay $0x3  }
0x9b: {  	_ =	strace s5  }
0x9c: {  	s5 =	sld [smem:$0x3FFD];
	_ =	sdelay $0x3  }
0x9d: {  	_ =	strace s5  }
0x9e: {  	_ =	strace $0x8FFFFFFF  }
0x9f: {  	s18 =	sld [smem:$0x3FDB];
	_ =	sdelay $0x1  }
0xa0: {  	s19 =	simm.s32 $_scs_section_size  }
0xa1: {  	s7 =	simm.s32 $_size__tile_overlayer_lowered;
	s8 =	simm.s32 $_tile_overlayer_lowered  }
0xa2: {  	s22 =	simm.s32 $0x1BFF;
	s21 =	sshll.u32 s8, $0x1;
	s5 =	sadd.s32 s19, s18  }
0xa3: {  	s9 =	simm.s32 $0x0;
	s20 =	sshll.u32 s7, $0x1;
	s7 =	sadd.s32 s21, s5  }
0xa4: {  	[timem:s9], [sflag:s22] =	dma.local [hbm:s7], s20  }
0xa5: {  	_ =	swait.ge [sflag:s22], s20  }
0xa6: {  	s6 =	ssub.s32 $0x0, s20;
	[sflag:s22] =	ssyncset.done $0x0  }
0xa7: {  	[sflag:s22] =	ssyncadd.s32 s6;
	_ =	sdelay $0x1  }
0xa8: {  	s23 =	simm.s32 $0x1B8B  }
0xa9: {  	_ =	swait.ge [sflag:s23], $0x1  }
0xaa: {  	[sflag:s23] =	ssyncset.done $0x0  }
0xab: {  	s25 =	simm.s32 $0x1B8E;
	s24 =	sld [smem:$0x3FFE];
	[sflag:s23] =	ssyncadd.s32 $0xFFFFFFFF  }
0xac: {  	s26 =	simm.s32 $execute0_lowered;
	[smem:$0x3FD2] =	sst s25  }
0xad: {  	s7 =	sshll.u32 s26, $0x1;
	_ =	strace $0x80000046;
	[dreg:$0x1] =	wrdreg $0xFFFFFFFF  }
0xae: {  	s28 =	simm.s32 $_size_execute0_lowered;
	s5 =	sadd.s32 s5, s7;
	[dreg:$0x0] =	wrdreg $0x0  }
0xaf: {  	s7 =	sshll.u32 s28, $0x1;
	[dreg:$0x2] =	wrdreg s5  }
0xb0: {  	[dreg:$0x3] =	wrdreg s7  }
0xb1: {  	[dreg:$0x4] =	wrdreg $0xC0  }
0xb2: {  	_ =	task [dreg:s9], $0x5FFFF  }
0xb3: {  	[dreg:$0x1] =	wrdreg $0xFFFFFFFF  }
0xb4: {  	[dreg:$0x0] =	wrdreg $0x60  }
0xb5: {  	[dreg:$0x2] =	wrdreg s15  }
0xb6: {  	[dreg:$0x3] =	wrdreg s4  }
0xb7: {  	[dreg:$0x4] =	wrdreg s24  }
0xb8: {  	[dreg:$0x5] =	wrdreg s16  }
0xb9: {  	[dreg:$0x6] =	wrdreg $0x9  }
0xba: {  	_ =	task.clear_ibuf [dreg:s9], $0x7FFFF;
	_ =	strace $0x90000046  }
0xbb: {  	s29 =	simm.s32 $0x9;
	_ =	strace $0x80000048  }
0xbc: {  	_ =	swait.ge [sflag:s29], $0x1  }
0xbd: {  	[sflag:s29] =	ssyncadd.s32 $0xFFFFFFFF  }
0xbe: {  	_ =	strace $0x90000048  }
0xbf: {  	_ =	sfence  }
0xc0: {  	s30 =	sld [smem:$0x0];
	_ =	sdelay $0x2  }
0xc1: {  	s31 =	sshll.u32 s1, $0xD;
	s1 =	sshrl.u32 s1, $0x2  }
0xc2: {  	s3 =	sand.u32 $0x4000, s31;
	s1 =	sadd.s32 s1, s30  }
0xc3: {  	s0 =	sor.u32 s3, s0;
	s1 =	sshll.u32 s1, $0x11  }
0xc4: {  	s0 =	sor.u32 s1, s0  }
0xc5: {  	s0 =	sadd.s32 $0x8F2B, s0  }
0xc6: {  	[sflag:s0] =	ssyncadd.remote.s32 $0x1  }
0xc7: {  	_ =	sfence.sel $0xFFFF  }
0xc8: {  	[dreg:$0x0] =	wrdreg $0xFFFFFFFF;
	(pc) =	sbr.abs _section_cstart, $3  }
0xc9: {  	[dreg:$0x1] =	wrdreg $0xFFFFFFFF  }
0xca: {  	_ =	task.clear_ibuf [dreg:s9], $0x2FFFF;
	_ =	strace $0x9FFFFFFF  }
0xcb: {  	(tm) =	ssettm $0x7FFFFFFF  }
tec
execute0_lowered:
.L_overlay_start_1:
0x0: {  	(tag) =	ssettag $0x1  }
0x1: {  	s0 =	rddreg [dreg:$0x0]  }
0x2: {  	s3 =	rddreg [dreg:$0x1]  }
0x3: {  	s8 =	rddreg [dreg:$0x2]  }
0x4: {  	s10 =	rddreg [dreg:$0x3];
	s1 =	simm.s32 $0x0  }
0x5: {  	s7 =	srdreg.scid;
	s9 =	stileid.u32;
	s14 =	simm.s32 $0x200  }
0x6: {  	s15 =	simm.s32 $0x80;
	s24 =	simm.s32 $0x280;
	s28 =	simm.s32 $0x100  }
0x7: {  	s17 =	simm.s32 $0x180;
	s18 =	simm.s32 $0x580;
	s19 =	simm.s32 $0x980  }
0x8: {  	s20 =	simm.s32 $0xB80;
	s21 =	simm.s32 $0x380;
	s22 =	simm.s32 $0x780  }
0x9: {  	s23 =	simm.s32 $0xD80;
	s25 =	simm.s32 $0x1;
	s26 =	simm.s32 $0xE00  }
0xa: {  	s29 =	simm.s32 $0x1000;
	s30 =	simm.s32 $0x0;
	[smem:$0x7FF] =	sst s1  }
0xb: {  	s2 =	sadd.s32 $0x1000, s8;
	s4 =	sadd.s32 $0x1FA00, s8;
	s5 =	sadd.s32 $0x3E400, s8  }
0xc: {  	s6 =	sadd.s32 $0x5CE00, s8;
	s7 =	sand.u32 $0x1, s7;
	s9 =	sshll.u32 s9, $0x7  }
0xd: {  	_ =	strace $0x80000047;
	s11 =	sshll.u32 s7, $0x6;
	s12 =	ssub.s32 $0x2, s7  }
0xe: {  	s7 =	sadd.s32 $0x7B800, s8;
	s11 =	sor.u32 s11, s9;
	s31 =	sshrl.u32 s12, $0x1  }
0xf: {  	s13 =	sadd.s32 s11, s8;
	s12 =	ssub.s32 s12, s31;
	s8 =	sadd.s32 s0, s11  }
0x10: {  	s9 =	sadd.s32 s3, s11;
	s10 =	sadd.s32 s10, s11;
	s0 =	simm.s32 $0x300  }
0x11: {  	s11 =	sadd.s32 $0x9A200, s13;
	s12 =	smax.u32 s12, $0x1;
	s13 =	simm.s32 $0x2  }
.LBB2_1:
0x12: {  	[tilespmem:s1], [sflag:$0x2] =	stream.linear.gather [hbm4b:s8+s1], $0x200, $0x38;
	[tilespmem:$0x1200] =	vst v63  }
0x13: {  	_ =	swait.ge [sflag:s13], $0x200  }
0x14: {  	[sflag:s13] =	ssyncset.done $0x0  }
0x15: {  	[sflag:s13] =	ssyncadd.s32 $0xFFFFFE00  }
0x16: {  	[tilespmem:s14], [sflag:$0x2] =	stream.linear.gather [hbm4b:s9+s1], $0x200, $0x38;
	[tilespmem:$0x1200] =	vst v63  }
0x17: {  	_ =	swait.ge [sflag:s13], $0x200  }
0x18: {  	[sflag:s13] =	ssyncset.done $0x0  }
0x19: {  	s3 =	simm.s32 $0x400;
	[sflag:s13] =	ssyncadd.s32 $0xFFFFFE00  }
0x1a: {  	[tilespmem:s3], [sflag:$0x1] =	stream.indirect.gather [hbm4b:s2+s15], $0x1, s1, s15, $0xb8;
	[tilespmem:$0x1200] =	vst v63  }
0x1b: {  	s16 =	simm.s32 $0x800  }
0x1c: {  	[tilespmem:s16], [sflag:$0x1] =	stream.indirect.gather [hbm4b:s5+s15], $0x1, s1, s15, $0xb8;
	[tilespmem:$0x1200] =	vst v63  }
0x1d: {  	s16 =	simm.s32 $0xA00  }
0x1e: {  	[tilespmem:s16], [sflag:$0x1] =	stream.indirect.gather [hbm4b:s6+s15], $0x1, s1, s15, $0xb8;
	[tilespmem:$0x1200] =	vst v63  }
0x1f: {  	s16 =	simm.s32 $0x600  }
0x20: {  	[tilespmem:s16], [sflag:$0x1] =	stream.indirect.gather [hbm4b:s4+s15], $0x1, s14, s15, $0xb8;
	[tilespmem:$0x1200] =	vst v63  }
0x21: {  	s16 =	simm.s32 $0xC00  }
0x22: {  	[tilespmem:s16], [sflag:$0x1] =	stream.indirect.gather [hbm4b:s7+s15], $0x1, s14, s15, $0xb8;
	[tilespmem:$0x1200] =	vst v63  }
0x23: {  	s16 =	simm.s32 $0x480  }
0x24: {  	[tilespmem:s16], [sflag:$0x1] =	stream.indirect.gather [hbm4b:s2+s15], $0x1, s15, s15, $0xb8;
	[tilespmem:$0x1200] =	vst v63  }
0x25: {  	s16 =	simm.s32 $0x880  }
0x26: {  	[tilespmem:s16], [sflag:$0x1] =	stream.indirect.gather [hbm4b:s5+s15], $0x1, s15, s15, $0xb8;
	[tilespmem:$0x1200] =	vst v63  }
0x27: {  	s16 =	simm.s32 $0xA80  }
0x28: {  	[tilespmem:s16], [sflag:$0x1] =	stream.indirect.gather [hbm4b:s6+s15], $0x1, s15, s15, $0xb8;
	[tilespmem:$0x1200] =	vst v63  }
0x29: {  	s16 =	simm.s32 $0x680  }
0x2a: {  	[tilespmem:s16], [sflag:$0x1] =	stream.indirect.gather [hbm4b:s4+s15], $0x1, s24, s15, $0xb8;
	[tilespmem:$0x1200] =	vst v63  }
0x2b: {  	s16 =	simm.s32 $0xC80  }
0x2c: {  	[tilespmem:s16], [sflag:$0x1] =	stream.indirect.gather [hbm4b:s7+s15], $0x1, s24, s15, $0xb8;
	[tilespmem:$0x1200] =	vst v63  }
0x2d: {  	s16 =	simm.s32 $0x500  }
0x2e: {  	[tilespmem:s16], [sflag:$0x1] =	stream.indirect.gather [hbm4b:s2+s15], $0x1, s28, s15, $0xb8;
	[tilespmem:$0x1200] =	vst v63  }
0x2f: {  	s16 =	simm.s32 $0x900  }
0x30: {  	[tilespmem:s16], [sflag:$0x1] =	stream.indirect.gather [hbm4b:s5+s15], $0x1, s28, s15, $0xb8;
	[tilespmem:$0x1200] =	vst v63  }
0x31: {  	s16 =	simm.s32 $0xB00  }
0x32: {  	[tilespmem:s16], [sflag:$0x1] =	stream.indirect.gather [hbm4b:s6+s15], $0x1, s28, s15, $0xb8;
	[tilespmem:$0x1200] =	vst v63  }
0x33: {  	s16 =	simm.s32 $0x700  }
0x34: {  	[tilespmem:s16], [sflag:$0x1] =	stream.indirect.gather [hbm4b:s4+s15], $0x1, s0, s15, $0xb8;
	[tilespmem:$0x1200] =	vst v63  }
0x35: {  	s16 =	simm.s32 $0xD00  }
0x36: {  	[tilespmem:s16], [sflag:$0x1] =	stream.indirect.gather [hbm4b:s7+s15], $0x1, s0, s15, $0xb8;
	[tilespmem:$0x1200] =	vst v63  }
0x37: {  	_ = 	snop  }
0x38: {  	[tilespmem:s18], [sflag:$0x1] =	stream.indirect.gather [hbm4b:s2+s15], $0x1, s17, s15, $0xb8;
	[tilespmem:$0x1200] =	vst v63  }
0x39: {  	_ = 	snop  }
0x3a: {  	[tilespmem:s19], [sflag:$0x1] =	stream.indirect.gather [hbm4b:s5+s15], $0x1, s17, s15, $0xb8;
	[tilespmem:$0x1200] =	vst v63  }
0x3b: {  	_ = 	snop  }
0x3c: {  	[tilespmem:s20], [sflag:$0x1] =	stream.indirect.gather [hbm4b:s6+s15], $0x1, s17, s15, $0xb8;
	[tilespmem:$0x1200] =	vst v63  }
0x3d: {  	_ = 	snop  }
0x3e: {  	[tilespmem:s22], [sflag:$0x1] =	stream.indirect.gather [hbm4b:s4+s15], $0x1, s21, s15, $0xb8;
	[tilespmem:$0x1200] =	vst v63  }
0x3f: {  	_ = 	snop  }
0x40: {  	[tilespmem:s23], [sflag:$0x1] =	stream.indirect.gather [hbm4b:s7+s15], $0x1, s21, s15, $0xb8;
	[tilespmem:$0x1200] =	vst v63  }
0x41: {  	_ =	swait.ge [sflag:s25], $0x80  }
0x42: {  	[sflag:s25] =	ssyncset.done $0x0  }
0x43: {  	[sflag:s25] =	ssyncadd.s32 $0xFFFFFF80  }
0x44: {  	_ =	swait.ge [sflag:s25], $0x80  }
0x45: {  	[sflag:s25] =	ssyncset.done $0x0  }
0x46: {  	[sflag:s25] =	ssyncadd.s32 $0xFFFFFF80  }
0x47: {  	_ =	swait.ge [sflag:s25], $0x80  }
0x48: {  	[sflag:s25] =	ssyncset.done $0x0  }
0x49: {  	[sflag:s25] =	ssyncadd.s32 $0xFFFFFF80  }
0x4a: {  	_ =	swait.ge [sflag:s25], $0x80  }
0x4b: {  	[sflag:s25] =	ssyncset.done $0x0  }
0x4c: {  	[sflag:s25] =	ssyncadd.s32 $0xFFFFFF80  }
0x4d: {  	_ =	swait.ge [sflag:s25], $0x80  }
0x4e: {  	[sflag:s25] =	ssyncset.done $0x0  }
0x4f: {  	[sflag:s25] =	ssyncadd.s32 $0xFFFFFF80  }
0x50: {  	_ =	swait.ge [sflag:s25], $0x80  }
0x51: {  	[sflag:s25] =	ssyncset.done $0x0  }
0x52: {  	[sflag:s25] =	ssyncadd.s32 $0xFFFFFF80  }
0x53: {  	_ =	swait.ge [sflag:s25], $0x80  }
0x54: {  	[sflag:s25] =	ssyncset.done $0x0  }
0x55: {  	[sflag:s25] =	ssyncadd.s32 $0xFFFFFF80  }
0x56: {  	_ =	swait.ge [sflag:s25], $0x80  }
0x57: {  	[sflag:s25] =	ssyncset.done $0x0  }
0x58: {  	[sflag:s25] =	ssyncadd.s32 $0xFFFFFF80  }
0x59: {  	_ =	swait.ge [sflag:s25], $0x80  }
0x5a: {  	[sflag:s25] =	ssyncset.done $0x0  }
0x5b: {  	[sflag:s25] =	ssyncadd.s32 $0xFFFFFF80  }
0x5c: {  	_ =	swait.ge [sflag:s25], $0x80  }
0x5d: {  	[sflag:s25] =	ssyncset.done $0x0  }
0x5e: {  	[sflag:s25] =	ssyncadd.s32 $0xFFFFFF80  }
0x5f: {  	_ =	swait.ge [sflag:s25], $0x80  }
0x60: {  	[sflag:s25] =	ssyncset.done $0x0  }
0x61: {  	[sflag:s25] =	ssyncadd.s32 $0xFFFFFF80  }
0x62: {  	_ =	swait.ge [sflag:s25], $0x80  }
0x63: {  	[sflag:s25] =	ssyncset.done $0x0  }
0x64: {  	[sflag:s25] =	ssyncadd.s32 $0xFFFFFF80  }
0x65: {  	_ =	swait.ge [sflag:s25], $0x80  }
0x66: {  	[sflag:s25] =	ssyncset.done $0x0  }
0x67: {  	[sflag:s25] =	ssyncadd.s32 $0xFFFFFF80  }
0x68: {  	_ =	swait.ge [sflag:s25], $0x80  }
0x69: {  	[sflag:s25] =	ssyncset.done $0x0  }
0x6a: {  	[sflag:s25] =	ssyncadd.s32 $0xFFFFFF80  }
0x6b: {  	_ =	swait.ge [sflag:s25], $0x80  }
0x6c: {  	[sflag:s25] =	ssyncset.done $0x0  }
0x6d: {  	[sflag:s25] =	ssyncadd.s32 $0xFFFFFF80  }
0x6e: {  	_ =	swait.ge [sflag:s25], $0x80  }
0x6f: {  	[sflag:s25] =	ssyncset.done $0x0  }
0x70: {  	[sflag:s25] =	ssyncadd.s32 $0xFFFFFF80  }
0x71: {  	_ =	swait.ge [sflag:s25], $0x80  }
0x72: {  	[sflag:s25] =	ssyncset.done $0x0  }
0x73: {  	[sflag:s25] =	ssyncadd.s32 $0xFFFFFF80  }
0x74: {  	_ =	swait.ge [sflag:s25], $0x80  }
0x75: {  	[sflag:s25] =	ssyncset.done $0x0  }
0x76: {  	[sflag:s25] =	ssyncadd.s32 $0xFFFFFF80  }
0x77: {  	_ =	swait.ge [sflag:s25], $0x80  }
0x78: {  	[sflag:s25] =	ssyncset.done $0x0  }
0x79: {  	[sflag:s25] =	ssyncadd.s32 $0xFFFFFF80  }
0x7a: {  	_ =	swait.ge [sflag:s25], $0x80  }
0x7b: {  	[sflag:s25] =	ssyncset.done $0x0  }
0x7c: {  	s31 =	simm.s32 $0x0;
	[sflag:s25] =	ssyncadd.s32 $0xFFFFFF80  }
0x7d: {  	v0 =	vld [tilespmem:s31+$0x400]  }
0x7e: {  	v4 =	vld [tilespmem:s31+$0x600]  }
0x7f: {  	v2 =	vld [tilespmem:s31+$0x800]  }
0x80: {  	v3 =	vld [tilespmem:s31+$0xA00]  }
0x81: {  	v1 =	vimm.f32 $0.0e+00;
	v5 =	vimm.f32 $0.0e+00;
	v6 =	vimm.f32 $0.0e+00;
	s3 =	simm.s32 $0x40;
	v7 =	vld [tilespmem:s31+$0xC00]  }
.LBB2_2:
0x82: {  	s16 =	sshra.s32 s3, $0x2;
	p0 =	sne.s32 s3, $0x7C0  }
.Ltmp0:
0x83: {  	s3 =	sadd.s32 $0x40, s3;
	v8 =	vadd.f32 v4, v0;
	v0 =	vld [tilespmem:s16+$0x400];
	(pc) =	sbr.rel @p0 .LBB2_2-.Ltmp0, $4  }
0x84: {  	v4 =	vld [tilespmem:s16+$0x600];
	v1 =	vadd.f32 v2, v1  }
0x85: {  	v2 =	vld [tilespmem:s16+$0x800];
	[tilespmem:s31+$0xE00] =	vst v8;
	v5 =	vadd.f32 v3, v5;
	s31 =	smov.u32 s16  }
0x86: {  	v3 =	vld [tilespmem:s31+$0xA00];
	v6 =	vadd.f32 v7, v6  }
0x87: {  	v7 =	vld [tilespmem:s31+$0xC00]  }
0x88: {  	_ = 	snop  }
0x89: {  	v0 =	vadd.f32 v4, v0  }
0x8a: {  	v1 =	vadd.f32 v2, v1  }
0x8b: {  	[tilespmem:s31+$0xE00] =	vst v0;
	v62 =	vadd.f32 v3, v5  }
0x8c: {  	v63 =	vadd.f32 v7, v6;
	[tilespmem:$0x1000] =	vst v1  }
0x8d: {  	[tilespmem:$0x1080] =	vst v62  }
0x8e: {  	[tilespmem:$0x1100] =	vst v63  }
0x8f: {  	[hbm4b:s10+s1] =	stream.linear.scatter [tilespmem:s26], [sflag:$0x2], $0x200, $0x38;
	[tilespmem:$0x1200] =	vst v63  }
0x90: {  	s30 =	sadd.s32 $0x1, s30;
	_ =	swait.ge [sflag:s13], $0x200  }
0x91: {  	p0 =	sne.s32 s30, s12;
	[sflag:s13] =	ssyncset.done $0x0  }
.Ltmp1:
0x92: {  	[sflag:s13] =	ssyncadd.s32 $0xFFFFFE00;
	(pc) =	sbr.rel @p0 .LBB2_1-.Ltmp1, $4  }
0x93: {  	[hbm4b:s11+s1] =	stream.linear.scatter [tilespmem:s29], [sflag:$0x2], $0x180, $0x38;
	[tilespmem:$0x1200] =	vst v63  }
0x94: {  	_ =	swait.ge [sflag:s13], $0x180  }
0x95: {  	[sflag:s13] =	ssyncset.done $0x0  }
0x96: {  	[sflag:s13] =	ssyncadd.s32 $0xFFFFFE80  }
0x97: {  	_ =	sfence.sel $0x180000  }
0x98: {  	[bflag:$0x0] =	sbarrier.arrive $0xFFFF  }
0x99: {  	_ =	strace $0x90000047  }
0x9a: {  	s0 =	stileid.u32;
	[bflag:$0x2] =	sbarrier.arrive $0xFFFF  }
0x9b: {  	p0 =	sne.s32 s0, $0x0;
	s0 =	rddreg [dreg:$0x4]  }
0x9c: {  	s0 =	sadd.s32 @!p0 $0x100000, s0  }
0x9d: {  	[sflag:s0] =	ssyncadd.tile.s32 @!p0 $0x1;
	_ =	shalt  }
.Lfunc_end2:
_tile_overlayer_lowered:
.L_overlay_start_2:
0x9e: {  	(tag) =	ssettag $0x2  }
0x9f: {  	s0 =	rddreg [dreg:$0x0];
	s2 =	stileid.u32  }
0xa0: {  	s1 =	rddreg [dreg:$0x1];
	p0 =	sne.s32 s2, $0x0  }
0xa1: {  	s3 =	rddreg [dreg:$0x2];
	[bflag:$0x3] =	sbarrier.arrive $0xFFFF;
	s2 =	simm.s32 @!p0 $0x1C02  }
0xa2: {  	[timem:s3], [sflag:s2] =	dma.local @!p0 [hbm:s0], s1  }
0xa3: {  	s0 =	simm.s32 @!p0 $0x2  }
0xa4: {  	_ =	swait.ge @!p0 [sflag:s0], s1  }
0xa5: {  	s1 =	ssub.s32 @!p0 $0x0, s1;
	[sflag:s0] =	ssyncset.done @!p0 $0x0  }
0xa6: {  	[sflag:s0] =	ssyncadd.s32 @!p0 s1  }
0xa7: {  	[bflag:$0x3] =	sbarrier.arrive $0xFFFF  }
0xa8: {  	_ =	shalt  }

</sc_bundles>
